<compile_context>
chip_gen: v7x
topology: tpu7x:2x2x1
jax: 0.10.2.dev20260603
libtpu: 0.0.44.dev20260713+nightly
codegen_flags: <defaults>
</compile_context>

<pallas_src>
import functools

import jax
import jax.numpy as jnp
from jax import lax
from jax.experimental import pallas as pl
from jax.experimental.pallas import tpu as pltpu
from jax.experimental.pallas import tpu_sc as plsc

N = 10000
E = 320000
F = 128
LAT = 64

NC = 2
NS = 16
NW = NC * NS
CHUNK = 128
CPW0 = 104
CPW1 = 54
E_PAD = NS * (CPW0 + CPW1) * CHUNK
M = 10240
RPS = M // NS

_SC_MESH = plsc.VectorSubcoreMesh(core_axis_name="c", subcore_axis_name="s")



def _sc_degree(dstc, zeros1):

    @functools.partial(
        pl.kernel,
        mesh=_SC_MESH,
        out_type=jax.ShapeDtypeStruct((NC, M), jnp.float32),
        scratch_types=[
            pltpu.VMEM((CHUNK,), jnp.int32),
            pltpu.VMEM((CHUNK,), jnp.float32),
            pltpu.VMEM_SHARED((M,), jnp.float32),
        ],
    )
    def k(dst_hbm, zeros_hbm, out_hbm, didx, ones_v, dacc):
        c = lax.axis_index("c")
        s = lax.axis_index("s")
        r0 = s * RPS
        cpw_d = (CPW0 + CPW1) // 2
        base = (s * NC + c) * cpw_d

        @pl.loop(0, CHUNK, step=16)
        def _(i):
            ones_v[pl.ds(i, 16)] = jnp.ones((16,), jnp.float32)

        pltpu.sync_copy(zeros_hbm.at[pl.ds(r0, RPS)], dacc.at[pl.ds(r0, RPS)])
        plsc.subcore_barrier()

        @pl.loop(0, cpw_d)
        def _(kk):
            pltpu.sync_copy(dst_hbm.at[base + kk], didx)
            pltpu.sync_copy(ones_v, dacc.at[didx], add=True)

        plsc.subcore_barrier()
        pltpu.sync_copy(dacc.at[pl.ds(r0, RPS)], out_hbm.at[c].at[pl.ds(r0, RPS)])

    return k(dstc, zeros1)


def _sc_propagate(table, srcc, dstc, zeros2):

    @functools.partial(
        pl.kernel,
        mesh=_SC_MESH,
        out_type=jax.ShapeDtypeStruct((NC, M, F), jnp.float32),
        scratch_types=[
            pltpu.VMEM((CHUNK,), jnp.int32),
            pltpu.VMEM((CHUNK,), jnp.int32),
            pltpu.VMEM((CHUNK,), jnp.int32),
            pltpu.VMEM((CHUNK,), jnp.int32),
            pltpu.VMEM((CHUNK, F), jnp.float32),
            pltpu.VMEM((CHUNK, F), jnp.float32),
            pltpu.VMEM_SHARED((M, F), jnp.float32),
            pltpu.SemaphoreType.DMA,
            pltpu.SemaphoreType.DMA,
            pltpu.SemaphoreType.DMA,
        ],
    )
    def k(table_hbm, src_hbm, dst_hbm, zeros_hbm, out_hbm,
          sidxA, didxA, sidxB, didxB, rowsA, rowsB, acc, semG, semSA, semSB):
        c = lax.axis_index("c")
        s = lax.axis_index("s")
        r0 = s * RPS
        cpw_c = jnp.where(c == 0, CPW0, CPW1)
        base = c * (NS * CPW0) + s * cpw_c

        pltpu.sync_copy(zeros_hbm.at[pl.ds(r0, RPS)], acc.at[pl.ds(r0, RPS)])
        plsc.subcore_barrier()

        def step(kk, sidx, didx, rows, semS):
            @pl.when(kk >= 2)
            def _():
                pltpu.make_async_copy(rows, acc.at[didx], semS).wait()

            pltpu.sync_copy(src_hbm.at[base + kk], sidx)
            pltpu.sync_copy(dst_hbm.at[base + kk], didx)
            pltpu.async_copy(table_hbm.at[sidx], rows, semG).wait()
            pltpu.async_copy(rows, acc.at[didx], semS, add=True)

        @pl.loop(0, CPW0 + CPW1, step=2)
        def _(kk):
            @pl.when(kk < cpw_c)
            def _():
                step(kk, sidxA, didxA, rowsA, semSA)
                step(kk + 1, sidxB, didxB, rowsB, semSB)

        pltpu.make_async_copy(rowsA, acc.at[didxA], semSA).wait()
        pltpu.make_async_copy(rowsB, acc.at[didxB], semSB).wait()
        plsc.subcore_barrier()
        pltpu.sync_copy(acc.at[pl.ds(r0, RPS)], out_hbm.at[c].at[pl.ds(r0, RPS)])

    return k(table, srcc, dstc, zeros2)



BLK = 2000
_GRID = N // BLK


def _k1_matmul(x, W1):
    def body(x_ref, w_ref, o_ref):
        o_ref[...] = jnp.dot(x_ref[...], w_ref[...],
                             preferred_element_type=jnp.float32)

    return pl.pallas_call(
        body,
        grid=(_GRID,),
        in_specs=[
            pl.BlockSpec((BLK, F), lambda i: (i, 0)),
            pl.BlockSpec((F, F), lambda i: (0, 0)),
        ],
        out_specs=pl.BlockSpec((BLK, F), lambda i: (i, 0)),
        out_shape=jax.ShapeDtypeStruct((N, F), jnp.float32),
    )(x, W1)


def _k2_dinv_scale(h1, degp):
    deg3 = degp.reshape(NC, M, 1)

    def body(h_ref, d0_ref, d1_ref, hp_ref, dinv_ref):
        deg = d0_ref[0] + d1_ref[0] + 1.0
        dinv = lax.rsqrt(deg)
        dinv_ref[...] = dinv
        hp_ref[...] = h_ref[...] * dinv

    return pl.pallas_call(
        body,
        grid=(_GRID,),
        in_specs=[
            pl.BlockSpec((BLK, F), lambda i: (i, 0)),
            pl.BlockSpec((1, BLK, 1), lambda i: (0, i, 0)),
            pl.BlockSpec((1, BLK, 1), lambda i: (1, i, 0)),
        ],
        out_specs=[
            pl.BlockSpec((BLK, F), lambda i: (i, 0)),
            pl.BlockSpec((BLK, 1), lambda i: (i, 0)),
        ],
        out_shape=[
            jax.ShapeDtypeStruct((N, F), jnp.float32),
            jax.ShapeDtypeStruct((N, 1), jnp.float32),
        ],
    )(h1, deg3, deg3)


def _k3_layer1_finish(acc1, h1p, dinv, b1, Wc):

    def body(a0_ref, a1_ref, hp_ref, dinv_ref, b_ref, w_ref, o_ref):
        pre = (a0_ref[0] + a1_ref[0] + hp_ref[...]) * dinv_ref[...] + b_ref[...]
        h = jnp.maximum(pre, 0.0)
        o_ref[...] = jnp.dot(h, w_ref[...],
                             preferred_element_type=jnp.float32) * dinv_ref[...]

    return pl.pallas_call(
        body,
        grid=(_GRID,),
        in_specs=[
            pl.BlockSpec((1, BLK, F), lambda i: (0, i, 0)),
            pl.BlockSpec((1, BLK, F), lambda i: (1, i, 0)),
            pl.BlockSpec((BLK, F), lambda i: (i, 0)),
            pl.BlockSpec((BLK, 1), lambda i: (i, 0)),
            pl.BlockSpec((F,), lambda i: (0,)),
            pl.BlockSpec((F, F), lambda i: (0, 0)),
        ],
        out_specs=pl.BlockSpec((BLK, F), lambda i: (i, 0)),
        out_shape=jax.ShapeDtypeStruct((N, F), jnp.float32),
    )(acc1, acc1, h1p, dinv, b1, Wc)


def _k4_layer2_finish(acc2, hc, dinv, bc):

    def body(a0_ref, a1_ref, hc_ref, dinv_ref, b_ref, o_ref):
        o_ref[...] = ((a0_ref[0] + a1_ref[0] + hc_ref[...]) * dinv_ref[...]
                      + b_ref[...])

    return pl.pallas_call(
        body,
        grid=(_GRID,),
        in_specs=[
            pl.BlockSpec((1, BLK, F), lambda i: (0, i, 0)),
            pl.BlockSpec((1, BLK, F), lambda i: (1, i, 0)),
            pl.BlockSpec((BLK, F), lambda i: (i, 0)),
            pl.BlockSpec((BLK, 1), lambda i: (i, 0)),
            pl.BlockSpec((F,), lambda i: (0,)),
        ],
        out_specs=pl.BlockSpec((BLK, F), lambda i: (i, 0)),
        out_shape=jax.ShapeDtypeStruct((N, F), jnp.float32),
    )(acc2, acc2, hc, dinv, bc)



def kernel(x, edge_index, W1, b1, Wmu, bmu, Wlv, blv):
    src = edge_index[0]
    dst = edge_index[1]
    pad = E_PAD - E
    srcc = jnp.concatenate(
        [src, jnp.zeros((pad,), jnp.int32)]).reshape(-1, CHUNK)
    dstc = jnp.concatenate(
        [dst, jnp.full((pad,), N, jnp.int32)]).reshape(-1, CHUNK)
    zeros1 = jnp.zeros((M,), jnp.float32)
    zeros2 = jnp.zeros((M, F), jnp.float32)
    Wc = jnp.concatenate([Wmu, Wlv], axis=1)
    bc = jnp.concatenate([bmu, blv])

    degp = _sc_degree(dstc, zeros1)
    h1 = _k1_matmul(x, W1)
    h1p, dinv = _k2_dinv_scale(h1, degp)
    acc1 = _sc_propagate(h1p, srcc, dstc, zeros2)
    hc = _k3_layer1_finish(acc1, h1p, dinv, b1, Wc)
    acc2 = _sc_propagate(hc, srcc, dstc, zeros2)
    out2 = _k4_layer2_finish(acc2, hc, dinv, bc)
    return (out2[:, :LAT], out2[:, LAT:])

# --- scband reference (transcript-rebuilt; emitter-appended) ---
"""Pipeline reference for scband-encoder-8495445311558 (READ-ONLY COPY).

The authoritative reference and input builder live on the scoring server;
editing this copy changes nothing except your own understanding.
"""

import jax, jax.numpy as jnp
import numpy as np

N = 10000
E = 320000
F_IN = 128
NHID = 128
LAT = 64


def setup_inputs(seed: int = 0) -> dict:
    key = jax.random.key(seed)
    ks = jax.random.split(key, 8)
    x = jax.random.normal(ks[0], (N, F_IN), dtype=jnp.float32)
    edge_index = jax.random.randint(ks[1], (2, E), 0, N, dtype=jnp.int32)
    W1 = jax.random.normal(ks[2], (F_IN, NHID), dtype=jnp.float32) / np.sqrt(F_IN)
    b1 = jnp.zeros((NHID,), dtype=jnp.float32)
    Wmu = jax.random.normal(ks[3], (NHID, LAT), dtype=jnp.float32) / np.sqrt(NHID)
    bmu = jnp.zeros((LAT,), dtype=jnp.float32)
    Wlv = jax.random.normal(ks[4], (NHID, LAT), dtype=jnp.float32) / np.sqrt(NHID)
    blv = jnp.zeros((LAT,), dtype=jnp.float32)
    return {"x": x, "edge_index": edge_index, "W1": W1, "b1": b1,
            "Wmu": Wmu, "bmu": bmu, "Wlv": Wlv, "blv": blv}


def _gcn_conv(x, src, dst, norm, W, b):
    # GCNConv: linear transform, then propagate with sym-normalized A_hat, then bias
    h = x @ W
    msg = h[src] * norm[:, None]
    out = jax.ops.segment_sum(msg, dst, num_segments=N)
    return out + b


def reference(x, edge_index, W1, b1, Wmu, bmu, Wlv, blv):
    # add self loops (A + I)
    loop = jnp.arange(N, dtype=edge_index.dtype)
    src = jnp.concatenate([edge_index[0], loop])
    dst = jnp.concatenate([edge_index[1], loop])
    # symmetric normalization D^-1/2 (A+I) D^-1/2
    deg = jax.ops.segment_sum(jnp.ones(src.shape[0], dtype=jnp.float32), dst, num_segments=N)
    dinv = jax.lax.rsqrt(jnp.clip(deg, 1.0, None))
    norm = dinv[src] * dinv[dst]

    h = jax.nn.relu(_gcn_conv(x, src, dst, norm, W1, b1))
    mu = _gcn_conv(h, src, dst, norm, Wmu, bmu)
    logvar = _gcn_conv(h, src, dst, norm, Wlv, blv)
    return (mu, logvar)

if __name__ == "__main__":
    import jax
    _d = setup_inputs()
    print(jax.jit(kernel)(*tuple(_d.values())))

</pallas_src>

<mosaic_0001>
#map = affine_map<(d0, d1) -> (0, 0)>
#map1 = affine_map<(d0, d1) -> (0, 0, 0)>
module attributes {stable_mosaic.version = 14 : i64} {
  func.func @k(%arg0: i32, %arg1: i32, %arg2: memref<10000x128xf32, #tpu.memory_space<hbm>>, %arg3: memref<2528x128xi32, #tpu.memory_space<hbm>>, %arg4: memref<2528x128xi32, #tpu.memory_space<hbm>>, %arg5: memref<10240x128xf32, #tpu.memory_space<hbm>>, %arg6: memref<2x10240x128xf32, #tpu.memory_space<hbm>>, %arg7: memref<128xi32, #tpu.memory_space<vmem>>, %arg8: memref<128xi32, #tpu.memory_space<vmem>>, %arg9: memref<128xi32, #tpu.memory_space<vmem>>, %arg10: memref<128xi32, #tpu.memory_space<vmem>>, %arg11: memref<128x128xf32, #tpu.memory_space<vmem>>, %arg12: memref<128x128xf32, #tpu.memory_space<vmem>>, %arg13: memref<10240x128xf32, #tpu.memory_space<vmem_shared>>, %arg14: memref<!tpu.dma_semaphore, #tpu.memory_space<semaphore_mem>>, %arg15: memref<!tpu.dma_semaphore, #tpu.memory_space<semaphore_mem>>, %arg16: memref<!tpu.dma_semaphore, #tpu.memory_space<semaphore_mem>>) attributes {dimension_semantics = [#tpu.dimension_semantics<core_parallel>, #tpu.dimension_semantics<subcore_parallel>], iteration_bounds = array<i64: 2, 16>, scalar_prefetch = 0 : i64, scratch_operands = 10 : i64, tpu.core_type = #tpu.core_type<sc_vector_subcore>, window_params = [{transform_indices = #map}, {transform_indices = #map}, {transform_indices = #map}, {transform_indices = #map}, {transform_indices = #map1}]} {
    %mul3A = arith.constant 640 : i32
    %mul3A_0 = arith.muli %arg1, %mul3A : i32
    %eq3A = arith.constant 0 : i32
    %eq3A_1 = arith.cmpi eq, %arg0, %eq3A : i32
    %jit3A = arith.constant 104 : i32
    %jit3A_2 = arith.constant 54 : i32
    %select_n3A = arith.select %eq3A_1, %jit3A, %jit3A_2 : i32
    %mul3A_3 = arith.constant 1664 : i32
    %mul3A_4 = arith.muli %arg0, %mul3A_3 : i32
    %mul3A_5 = arith.muli %arg1, %select_n3A : i32
    %add3A = arith.addi %mul3A_4, %mul3A_5 : i32
    "tpu.region"() ({
      %run_scoped3A = tpu.sem_alloc : memref<!tpu.dma_semaphore, #tpu.memory_space<semaphore_mem>>
      %dma_start3A = arith.constant 0 : i32
      %dma_start3A_16 = tpu.memref_slice %arg13[%mul3A_0, %dma_start3A] : memref<10240x128xf32, #tpu.memory_space<vmem_shared>> -> memref<640x128xf32, #tpu.memory_space<vmem_shared>>
      %dma_start3A_17 = arith.constant 0 : i32
      %dma_start3A_18 = tpu.memref_slice %arg5[%mul3A_0, %dma_start3A_17] : memref<10240x128xf32, #tpu.memory_space<hbm>> -> memref<640x128xf32, #tpu.memory_space<hbm>>
      tpu.enqueue_dma source(%dma_start3A_18 : memref<640x128xf32, #tpu.memory_space<hbm>>) target(%dma_start3A_16 : memref<640x128xf32, #tpu.memory_space<vmem_shared>>) target_semaphore(%run_scoped3A : memref<!tpu.dma_semaphore, #tpu.memory_space<semaphore_mem>>)
      %dma_wait3A_19 = arith.constant 0 : i32
      %dma_wait3A_20 = tpu.memref_slice %arg13[%mul3A_0, %dma_wait3A_19] : memref<10240x128xf32, #tpu.memory_space<vmem_shared>> -> memref<640x128xf32, #tpu.memory_space<vmem_shared>>
      %dma_wait3A_21 = arith.constant 0 : i32
      %dma_wait3A_22 = tpu.memref_slice %arg5[%mul3A_0, %dma_wait3A_21] : memref<10240x128xf32, #tpu.memory_space<hbm>> -> memref<640x128xf32, #tpu.memory_space<hbm>>
      tpu.wait_dma2 semaphore(%run_scoped3A : memref<!tpu.dma_semaphore, #tpu.memory_space<semaphore_mem>>) src(%dma_wait3A_22 : memref<640x128xf32, #tpu.memory_space<hbm>>) dst(%dma_wait3A_20 : memref<640x128xf32, #tpu.memory_space<vmem_shared>>)
      tpu.yield
    }) : () -> ()
    %barrier3A = arith.constant 0 : index
    tpu.barrier barrier_id(%barrier3A)
    %scan3A = arith.constant 0 : i32
    %scan3A_6 = arith.constant 79 : i32
    %scan3A_7 = arith.addi %scan3A, %scan3A_6 : i32
    %scan3A_8 = arith.constant 1 : i32
    scf.for %scan3A_16 = %scan3A to %scan3A_7 step %scan3A_8  : i32 {
      %mul3A_17 = arith.constant 2 : i32
      %mul3A_18 = arith.muli %scan3A_16, %mul3A_17 : i32
      %add3A_19 = arith.constant 0 : i32
      %add3A_20 = arith.addi %add3A_19, %mul3A_18 : i32
      %lt3A = arith.cmpi slt, %add3A_20, %select_n3A : i32
      %convert_element_type3A = arith.extui %lt3A : i1 to i32
      %cond3A = arith.constant 0 : i32
      %cond3A_21 = arith.cmpi ne, %convert_element_type3A, %cond3A : i32
      scf.if %cond3A_21 {
        %ge3A = arith.constant 2 : i32
        %ge3A_22 = arith.cmpi sge, %add3A_20, %ge3A : i32
        %convert_element_type3A_23 = arith.extui %ge3A_22 : i1 to i32
        %cond3A_24 = arith.constant 0 : i32
        %cond3A_25 = arith.cmpi ne, %convert_element_type3A_23, %cond3A_24 : i32
        scf.if %cond3A_25 {
          %dma_wait3A_54 = arith.constant 0 : i32
          %dma_wait3A_55 = arith.constant 0 : i32
          %dma_wait3A_56 = tpu.memref_slice %arg13[%dma_wait3A_54, %dma_wait3A_55] : memref<10240x128xf32, #tpu.memory_space<vmem_shared>> -> memref<10240x128xf32, #tpu.memory_space<vmem_shared>>
          tpu.wait_indirect_dma semaphore(%arg15 : memref<!tpu.dma_semaphore, #tpu.memory_space<semaphore_mem>>) src(%arg11 : memref<128x128xf32, #tpu.memory_space<vmem>>) dst(%dma_wait3A_56 : memref<10240x128xf32, #tpu.memory_space<vmem_shared>>)
        } else {
        }
        %add3A_26 = arith.addi %add3A, %add3A_20 : i32
        "tpu.region"() ({
          %run_scoped3A = tpu.sem_alloc : memref<!tpu.dma_semaphore, #tpu.memory_space<semaphore_mem>>
          %dma_start3A_54 = arith.constant 0 : i32
          %dma_start3A_55 = tpu.memref_slice %arg3[%add3A_26, %dma_start3A_54] : memref<2528x128xi32, #tpu.memory_space<hbm>> -> memref<1x128xi32, #tpu.memory_space<hbm>>
          %dma_start3A_56 = tpu.memref_squeeze %dma_start3A_55 : memref<1x128xi32, #tpu.memory_space<hbm>> -> memref<128xi32, #tpu.memory_space<hbm>>
          %dma_start3A_57 = arith.constant 0 : i32
          %dma_start3A_58 = tpu.memref_slice %arg3[%add3A_26, %dma_start3A_57] : memref<2528x128xi32, #tpu.memory_space<hbm>> -> memref<1x128xi32, #tpu.memory_space<hbm>>
          %dma_start3A_59 = tpu.memref_squeeze %dma_start3A_58 : memref<1x128xi32, #tpu.memory_space<hbm>> -> memref<128xi32, #tpu.memory_space<hbm>>
          tpu.enqueue_dma source(%dma_start3A_59 : memref<128xi32, #tpu.memory_space<hbm>>) target(%arg7 : memref<128xi32, #tpu.memory_space<vmem>>) target_semaphore(%run_scoped3A : memref<!tpu.dma_semaphore, #tpu.memory_space<semaphore_mem>>)
          %dma_wait3A_60 = arith.constant 0 : i32
          %dma_wait3A_61 = tpu.memref_slice %arg3[%add3A_26, %dma_wait3A_60] : memref<2528x128xi32, #tpu.memory_space<hbm>> -> memref<1x128xi32, #tpu.memory_space<hbm>>
          %dma_wait3A_62 = tpu.memref_squeeze %dma_wait3A_61 : memref<1x128xi32, #tpu.memory_space<hbm>> -> memref<128xi32, #tpu.memory_space<hbm>>
          %dma_wait3A_63 = arith.constant 0 : i32
          %dma_wait3A_64 = tpu.memref_slice %arg3[%add3A_26, %dma_wait3A_63] : memref<2528x128xi32, #tpu.memory_space<hbm>> -> memref<1x128xi32, #tpu.memory_space<hbm>>
          %dma_wait3A_65 = tpu.memref_squeeze %dma_wait3A_64 : memref<1x128xi32, #tpu.memory_space<hbm>> -> memref<128xi32, #tpu.memory_space<hbm>>
          tpu.wait_dma2 semaphore(%run_scoped3A : memref<!tpu.dma_semaphore, #tpu.memory_space<semaphore_mem>>) src(%dma_wait3A_65 : memref<128xi32, #tpu.memory_space<hbm>>) dst(%arg7 : memref<128xi32, #tpu.memory_space<vmem>>)
          tpu.yield
        }) : () -> ()
        %add3A_27 = arith.addi %add3A, %add3A_20 : i32
        "tpu.region"() ({
          %run_scoped3A = tpu.sem_alloc : memref<!tpu.dma_semaphore, #tpu.memory_space<semaphore_mem>>
          %dma_start3A_54 = arith.constant 0 : i32
          %dma_start3A_55 = tpu.memref_slice %arg4[%add3A_27, %dma_start3A_54] : memref<2528x128xi32, #tpu.memory_space<hbm>> -> memref<1x128xi32, #tpu.memory_space<hbm>>
          %dma_start3A_56 = tpu.memref_squeeze %dma_start3A_55 : memref<1x128xi32, #tpu.memory_space<hbm>> -> memref<128xi32, #tpu.memory_space<hbm>>
          %dma_start3A_57 = arith.constant 0 : i32
          %dma_start3A_58 = tpu.memref_slice %arg4[%add3A_27, %dma_start3A_57] : memref<2528x128xi32, #tpu.memory_space<hbm>> -> memref<1x128xi32, #tpu.memory_space<hbm>>
          %dma_start3A_59 = tpu.memref_squeeze %dma_start3A_58 : memref<1x128xi32, #tpu.memory_space<hbm>> -> memref<128xi32, #tpu.memory_space<hbm>>
          tpu.enqueue_dma source(%dma_start3A_59 : memref<128xi32, #tpu.memory_space<hbm>>) target(%arg8 : memref<128xi32, #tpu.memory_space<vmem>>) target_semaphore(%run_scoped3A : memref<!tpu.dma_semaphore, #tpu.memory_space<semaphore_mem>>)
          %dma_wait3A_60 = arith.constant 0 : i32
          %dma_wait3A_61 = tpu.memref_slice %arg4[%add3A_27, %dma_wait3A_60] : memref<2528x128xi32, #tpu.memory_space<hbm>> -> memref<1x128xi32, #tpu.memory_space<hbm>>
          %dma_wait3A_62 = tpu.memref_squeeze %dma_wait3A_61 : memref<1x128xi32, #tpu.memory_space<hbm>> -> memref<128xi32, #tpu.memory_space<hbm>>
          %dma_wait3A_63 = arith.constant 0 : i32
          %dma_wait3A_64 = tpu.memref_slice %arg4[%add3A_27, %dma_wait3A_63] : memref<2528x128xi32, #tpu.memory_space<hbm>> -> memref<1x128xi32, #tpu.memory_space<hbm>>
          %dma_wait3A_65 = tpu.memref_squeeze %dma_wait3A_64 : memref<1x128xi32, #tpu.memory_space<hbm>> -> memref<128xi32, #tpu.memory_space<hbm>>
          tpu.wait_dma2 semaphore(%run_scoped3A : memref<!tpu.dma_semaphore, #tpu.memory_space<semaphore_mem>>) src(%dma_wait3A_65 : memref<128xi32, #tpu.memory_space<hbm>>) dst(%arg8 : memref<128xi32, #tpu.memory_space<vmem>>)
          tpu.yield
        }) : () -> ()
        %dma_start3A = arith.constant 0 : i32
        %dma_start3A_28 = arith.constant 0 : i32
        %dma_start3A_29 = tpu.memref_slice %arg2[%dma_start3A, %dma_start3A_28] : memref<10000x128xf32, #tpu.memory_space<hbm>> -> memref<10000x128xf32, #tpu.memory_space<hbm>>
        tpu.enqueue_indirect_dma source(%dma_start3A_29 : memref<10000x128xf32, #tpu.memory_space<hbm>>) target(%arg11 : memref<128x128xf32, #tpu.memory_space<vmem>>) offsets(%arg7 : memref<128xi32, #tpu.memory_space<vmem>>) semaphore(%arg14 : memref<!tpu.dma_semaphore, #tpu.memory_space<semaphore_mem>>)
        %dma_wait3A_30 = arith.constant 0 : i32
        %dma_wait3A_31 = arith.constant 0 : i32
        %dma_wait3A_32 = tpu.memref_slice %arg2[%dma_wait3A_30, %dma_wait3A_31] : memref<10000x128xf32, #tpu.memory_space<hbm>> -> memref<10000x128xf32, #tpu.memory_space<hbm>>
        tpu.wait_indirect_dma semaphore(%arg14 : memref<!tpu.dma_semaphore, #tpu.memory_space<semaphore_mem>>) src(%dma_wait3A_32 : memref<10000x128xf32, #tpu.memory_space<hbm>>) dst(%arg11 : memref<128x128xf32, #tpu.memory_space<vmem>>)
        %dma_start3A_33 = arith.constant 0 : i32
        %dma_start3A_34 = arith.constant 0 : i32
        %dma_start3A_35 = tpu.memref_slice %arg13[%dma_start3A_33, %dma_start3A_34] : memref<10240x128xf32, #tpu.memory_space<vmem_shared>> -> memref<10240x128xf32, #tpu.memory_space<vmem_shared>>
        tpu.enqueue_indirect_dma source(%arg11 : memref<128x128xf32, #tpu.memory_space<vmem>>) target(%dma_start3A_35 : memref<10240x128xf32, #tpu.memory_space<vmem_shared>>) offsets(%arg8 : memref<128xi32, #tpu.memory_space<vmem>>) semaphore(%arg15 : memref<!tpu.dma_semaphore, #tpu.memory_space<semaphore_mem>>) {add = true}
        %add3A_36 = arith.constant 1 : i32
        %add3A_37 = arith.addi %add3A_20, %add3A_36 : i32
        %ge3A_38 = arith.constant 2 : i32
        %ge3A_39 = arith.cmpi sge, %add3A_37, %ge3A_38 : i32
        %convert_element_type3A_40 = arith.extui %ge3A_39 : i1 to i32
        %cond3A_41 = arith.constant 0 : i32
        %cond3A_42 = arith.cmpi ne, %convert_element_type3A_40, %cond3A_41 : i32
        scf.if %cond3A_42 {
          %dma_wait3A_54 = arith.constant 0 : i32
          %dma_wait3A_55 = arith.constant 0 : i32
          %dma_wait3A_56 = tpu.memref_slice %arg13[%dma_wait3A_54, %dma_wait3A_55] : memref<10240x128xf32, #tpu.memory_space<vmem_shared>> -> memref<10240x128xf32, #tpu.memory_space<vmem_shared>>
          tpu.wait_indirect_dma semaphore(%arg16 : memref<!tpu.dma_semaphore, #tpu.memory_space<semaphore_mem>>) src(%arg12 : memref<128x128xf32, #tpu.memory_space<vmem>>) dst(%dma_wait3A_56 : memref<10240x128xf32, #tpu.memory_space<vmem_shared>>)
        } else {
        }
        %add3A_43 = arith.addi %add3A, %add3A_37 : i32
        "tpu.region"() ({
          %run_scoped3A = tpu.sem_alloc : memref<!tpu.dma_semaphore, #tpu.memory_space<semaphore_mem>>
          %dma_start3A_54 = arith.constant 0 : i32
          %dma_start3A_55 = tpu.memref_slice %arg3[%add3A_43, %dma_start3A_54] : memref<2528x128xi32, #tpu.memory_space<hbm>> -> memref<1x128xi32, #tpu.memory_space<hbm>>
          %dma_start3A_56 = tpu.memref_squeeze %dma_start3A_55 : memref<1x128xi32, #tpu.memory_space<hbm>> -> memref<128xi32, #tpu.memory_space<hbm>>
          %dma_start3A_57 = arith.constant 0 : i32
          %dma_start3A_58 = tpu.memref_slice %arg3[%add3A_43, %dma_start3A_57] : memref<2528x128xi32, #tpu.memory_space<hbm>> -> memref<1x128xi32, #tpu.memory_space<hbm>>
          %dma_start3A_59 = tpu.memref_squeeze %dma_start3A_58 : memref<1x128xi32, #tpu.memory_space<hbm>> -> memref<128xi32, #tpu.memory_space<hbm>>
          tpu.enqueue_dma source(%dma_start3A_59 : memref<128xi32, #tpu.memory_space<hbm>>) target(%arg9 : memref<128xi32, #tpu.memory_space<vmem>>) target_semaphore(%run_scoped3A : memref<!tpu.dma_semaphore, #tpu.memory_space<semaphore_mem>>)
          %dma_wait3A_60 = arith.constant 0 : i32
          %dma_wait3A_61 = tpu.memref_slice %arg3[%add3A_43, %dma_wait3A_60] : memref<2528x128xi32, #tpu.memory_space<hbm>> -> memref<1x128xi32, #tpu.memory_space<hbm>>
          %dma_wait3A_62 = tpu.memref_squeeze %dma_wait3A_61 : memref<1x128xi32, #tpu.memory_space<hbm>> -> memref<128xi32, #tpu.memory_space<hbm>>
          %dma_wait3A_63 = arith.constant 0 : i32
          %dma_wait3A_64 = tpu.memref_slice %arg3[%add3A_43, %dma_wait3A_63] : memref<2528x128xi32, #tpu.memory_space<hbm>> -> memref<1x128xi32, #tpu.memory_space<hbm>>
          %dma_wait3A_65 = tpu.memref_squeeze %dma_wait3A_64 : memref<1x128xi32, #tpu.memory_space<hbm>> -> memref<128xi32, #tpu.memory_space<hbm>>
          tpu.wait_dma2 semaphore(%run_scoped3A : memref<!tpu.dma_semaphore, #tpu.memory_space<semaphore_mem>>) src(%dma_wait3A_65 : memref<128xi32, #tpu.memory_space<hbm>>) dst(%arg9 : memref<128xi32, #tpu.memory_space<vmem>>)
          tpu.yield
        }) : () -> ()
        %add3A_44 = arith.addi %add3A, %add3A_37 : i32
        "tpu.region"() ({
          %run_scoped3A = tpu.sem_alloc : memref<!tpu.dma_semaphore, #tpu.memory_space<semaphore_mem>>
          %dma_start3A_54 = arith.constant 0 : i32
          %dma_start3A_55 = tpu.memref_slice %arg4[%add3A_44, %dma_start3A_54] : memref<2528x128xi32, #tpu.memory_space<hbm>> -> memref<1x128xi32, #tpu.memory_space<hbm>>
          %dma_start3A_56 = tpu.memref_squeeze %dma_start3A_55 : memref<1x128xi32, #tpu.memory_space<hbm>> -> memref<128xi32, #tpu.memory_space<hbm>>
          %dma_start3A_57 = arith.constant 0 : i32
          %dma_start3A_58 = tpu.memref_slice %arg4[%add3A_44, %dma_start3A_57] : memref<2528x128xi32, #tpu.memory_space<hbm>> -> memref<1x128xi32, #tpu.memory_space<hbm>>
          %dma_start3A_59 = tpu.memref_squeeze %dma_start3A_58 : memref<1x128xi32, #tpu.memory_space<hbm>> -> memref<128xi32, #tpu.memory_space<hbm>>
          tpu.enqueue_dma source(%dma_start3A_59 : memref<128xi32, #tpu.memory_space<hbm>>) target(%arg10 : memref<128xi32, #tpu.memory_space<vmem>>) target_semaphore(%run_scoped3A : memref<!tpu.dma_semaphore, #tpu.memory_space<semaphore_mem>>)
          %dma_wait3A_60 = arith.constant 0 : i32
          %dma_wait3A_61 = tpu.memref_slice %arg4[%add3A_44, %dma_wait3A_60] : memref<2528x128xi32, #tpu.memory_space<hbm>> -> memref<1x128xi32, #tpu.memory_space<hbm>>
          %dma_wait3A_62 = tpu.memref_squeeze %dma_wait3A_61 : memref<1x128xi32, #tpu.memory_space<hbm>> -> memref<128xi32, #tpu.memory_space<hbm>>
          %dma_wait3A_63 = arith.constant 0 : i32
          %dma_wait3A_64 = tpu.memref_slice %arg4[%add3A_44, %dma_wait3A_63] : memref<2528x128xi32, #tpu.memory_space<hbm>> -> memref<1x128xi32, #tpu.memory_space<hbm>>
          %dma_wait3A_65 = tpu.memref_squeeze %dma_wait3A_64 : memref<1x128xi32, #tpu.memory_space<hbm>> -> memref<128xi32, #tpu.memory_space<hbm>>
          tpu.wait_dma2 semaphore(%run_scoped3A : memref<!tpu.dma_semaphore, #tpu.memory_space<semaphore_mem>>) src(%dma_wait3A_65 : memref<128xi32, #tpu.memory_space<hbm>>) dst(%arg10 : memref<128xi32, #tpu.memory_space<vmem>>)
          tpu.yield
        }) : () -> ()
        %dma_start3A_45 = arith.constant 0 : i32
        %dma_start3A_46 = arith.constant 0 : i32
        %dma_start3A_47 = tpu.memref_slice %arg2[%dma_start3A_45, %dma_start3A_46] : memref<10000x128xf32, #tpu.memory_space<hbm>> -> memref<10000x128xf32, #tpu.memory_space<hbm>>
        tpu.enqueue_indirect_dma source(%dma_start3A_47 : memref<10000x128xf32, #tpu.memory_space<hbm>>) target(%arg12 : memref<128x128xf32, #tpu.memory_space<vmem>>) offsets(%arg9 : memref<128xi32, #tpu.memory_space<vmem>>) semaphore(%arg14 : memref<!tpu.dma_semaphore, #tpu.memory_space<semaphore_mem>>)
        %dma_wait3A_48 = arith.constant 0 : i32
        %dma_wait3A_49 = arith.constant 0 : i32
        %dma_wait3A_50 = tpu.memref_slice %arg2[%dma_wait3A_48, %dma_wait3A_49] : memref<10000x128xf32, #tpu.memory_space<hbm>> -> memref<10000x128xf32, #tpu.memory_space<hbm>>
        tpu.wait_indirect_dma semaphore(%arg14 : memref<!tpu.dma_semaphore, #tpu.memory_space<semaphore_mem>>) src(%dma_wait3A_50 : memref<10000x128xf32, #tpu.memory_space<hbm>>) dst(%arg12 : memref<128x128xf32, #tpu.memory_space<vmem>>)
        %dma_start3A_51 = arith.constant 0 : i32
        %dma_start3A_52 = arith.constant 0 : i32
        %dma_start3A_53 = tpu.memref_slice %arg13[%dma_start3A_51, %dma_start3A_52] : memref<10240x128xf32, #tpu.memory_space<vmem_shared>> -> memref<10240x128xf32, #tpu.memory_space<vmem_shared>>
        tpu.enqueue_indirect_dma source(%arg12 : memref<128x128xf32, #tpu.memory_space<vmem>>) target(%dma_start3A_53 : memref<10240x128xf32, #tpu.memory_space<vmem_shared>>) offsets(%arg10 : memref<128xi32, #tpu.memory_space<vmem>>) semaphore(%arg16 : memref<!tpu.dma_semaphore, #tpu.memory_space<semaphore_mem>>) {add = true}
      } else {
      }
    }
    %scan3A_9 = arith.constant 79 : i32
    %dma_wait3A = arith.constant 0 : i32
    %dma_wait3A_10 = arith.constant 0 : i32
    %dma_wait3A_11 = tpu.memref_slice %arg13[%dma_wait3A, %dma_wait3A_10] : memref<10240x128xf32, #tpu.memory_space<vmem_shared>> -> memref<10240x128xf32, #tpu.memory_space<vmem_shared>>
    tpu.wait_indirect_dma semaphore(%arg15 : memref<!tpu.dma_semaphore, #tpu.memory_space<semaphore_mem>>) src(%arg11 : memref<128x128xf32, #tpu.memory_space<vmem>>) dst(%dma_wait3A_11 : memref<10240x128xf32, #tpu.memory_space<vmem_shared>>)
    %dma_wait3A_12 = arith.constant 0 : i32
    %dma_wait3A_13 = arith.constant 0 : i32
    %dma_wait3A_14 = tpu.memref_slice %arg13[%dma_wait3A_12, %dma_wait3A_13] : memref<10240x128xf32, #tpu.memory_space<vmem_shared>> -> memref<10240x128xf32, #tpu.memory_space<vmem_shared>>
    tpu.wait_indirect_dma semaphore(%arg16 : memref<!tpu.dma_semaphore, #tpu.memory_space<semaphore_mem>>) src(%arg12 : memref<128x128xf32, #tpu.memory_space<vmem>>) dst(%dma_wait3A_14 : memref<10240x128xf32, #tpu.memory_space<vmem_shared>>)
    %barrier3A_15 = arith.constant 0 : index
    tpu.barrier barrier_id(%barrier3A_15)
    "tpu.region"() ({
      %run_scoped3A = tpu.sem_alloc : memref<!tpu.dma_semaphore, #tpu.memory_space<semaphore_mem>>
      %dma_start3A = arith.constant 0 : i32
      %dma_start3A_16 = arith.constant 0 : i32
      %dma_start3A_17 = tpu.memref_slice %arg6[%arg0, %dma_start3A, %dma_start3A_16] : memref<2x10240x128xf32, #tpu.memory_space<hbm>> -> memref<1x10240x128xf32, #tpu.memory_space<hbm>>
      %dma_start3A_18 = tpu.memref_squeeze %dma_start3A_17 : memref<1x10240x128xf32, #tpu.memory_space<hbm>> -> memref<10240x128xf32, #tpu.memory_space<hbm>>
      %dma_start3A_19 = arith.constant 0 : i32
      %dma_start3A_20 = tpu.memref_slice %dma_start3A_18[%mul3A_0, %dma_start3A_19] : memref<10240x128xf32, #tpu.memory_space<hbm>> -> memref<640x128xf32, #tpu.memory_space<hbm>>
      %dma_start3A_21 = arith.constant 0 : i32
      %dma_start3A_22 = tpu.memref_slice %arg13[%mul3A_0, %dma_start3A_21] : memref<10240x128xf32, #tpu.memory_space<vmem_shared>> -> memref<640x128xf32, #tpu.memory_space<vmem_shared>>
      tpu.enqueue_dma source(%dma_start3A_22 : memref<640x128xf32, #tpu.memory_space<vmem_shared>>) target(%dma_start3A_20 : memref<640x128xf32, #tpu.memory_space<hbm>>) target_semaphore(%run_scoped3A : memref<!tpu.dma_semaphore, #tpu.memory_space<semaphore_mem>>)
      %dma_wait3A_23 = arith.constant 0 : i32
      %dma_wait3A_24 = arith.constant 0 : i32
      %dma_wait3A_25 = tpu.memref_slice %arg6[%arg0, %dma_wait3A_23, %dma_wait3A_24] : memref<2x10240x128xf32, #tpu.memory_space<hbm>> -> memref<1x10240x128xf32, #tpu.memory_space<hbm>>
      %dma_wait3A_26 = tpu.memref_squeeze %dma_wait3A_25 : memref<1x10240x128xf32, #tpu.memory_space<hbm>> -> memref<10240x128xf32, #tpu.memory_space<hbm>>
      %dma_wait3A_27 = arith.constant 0 : i32
      %dma_wait3A_28 = tpu.memref_slice %dma_wait3A_26[%mul3A_0, %dma_wait3A_27] : memref<10240x128xf32, #tpu.memory_space<hbm>> -> memref<640x128xf32, #tpu.memory_space<hbm>>
      %dma_wait3A_29 = arith.constant 0 : i32
      %dma_wait3A_30 = tpu.memref_slice %arg13[%mul3A_0, %dma_wait3A_29] : memref<10240x128xf32, #tpu.memory_space<vmem_shared>> -> memref<640x128xf32, #tpu.memory_space<vmem_shared>>
      tpu.wait_dma2 semaphore(%run_scoped3A : memref<!tpu.dma_semaphore, #tpu.memory_space<semaphore_mem>>) src(%dma_wait3A_30 : memref<640x128xf32, #tpu.memory_space<vmem_shared>>) dst(%dma_wait3A_28 : memref<640x128xf32, #tpu.memory_space<hbm>>)
      tpu.yield
    }) : () -> ()
    return
  }
}

#map = affine_map<(d0, d1) -> (0, 0)>
#map1 = affine_map<(d0, d1) -> (0, 0, 0)>
module attributes {stable_mosaic.version = 14 : i64} {
  func.func @k(%arg0: i32, %arg1: i32, %arg2: memref<10000x128xf32, #tpu.memory_space<hbm>>, %arg3: memref<2528x128xi32, #tpu.memory_space<hbm>>, %arg4: memref<2528x128xi32, #tpu.memory_space<hbm>>, %arg5: memref<10240x128xf32, #tpu.memory_space<hbm>>, %arg6: memref<2x10240x128xf32, #tpu.memory_space<hbm>>, %arg7: memref<128xi32, #tpu.memory_space<vmem>>, %arg8: memref<128xi32, #tpu.memory_space<vmem>>, %arg9: memref<128xi32, #tpu.memory_space<vmem>>, %arg10: memref<128xi32, #tpu.memory_space<vmem>>, %arg11: memref<128x128xf32, #tpu.memory_space<vmem>>, %arg12: memref<128x128xf32, #tpu.memory_space<vmem>>, %arg13: memref<10240x128xf32, #tpu.memory_space<vmem_shared>>, %arg14: memref<!tpu.dma_semaphore, #tpu.memory_space<semaphore_mem>>, %arg15: memref<!tpu.dma_semaphore, #tpu.memory_space<semaphore_mem>>, %arg16: memref<!tpu.dma_semaphore, #tpu.memory_space<semaphore_mem>>) attributes {dimension_semantics = [#tpu.dimension_semantics<core_parallel>, #tpu.dimension_semantics<subcore_parallel>], iteration_bounds = array<i64: 2, 16>, scalar_prefetch = 0 : i64, scratch_operands = 10 : i64, tpu.core_type = #tpu.core_type<sc_vector_subcore>, window_params = [{transform_indices = #map}, {transform_indices = #map}, {transform_indices = #map}, {transform_indices = #map}, {transform_indices = #map1}]} {
    %mul3A = arith.constant 640 : i32
    %mul3A_0 = arith.muli %arg1, %mul3A : i32
    %eq3A = arith.constant 0 : i32
    %eq3A_1 = arith.cmpi eq, %arg0, %eq3A : i32
    %jit3A = arith.constant 104 : i32
    %jit3A_2 = arith.constant 54 : i32
    %select_n3A = arith.select %eq3A_1, %jit3A, %jit3A_2 : i32
    %mul3A_3 = arith.constant 1664 : i32
    %mul3A_4 = arith.muli %arg0, %mul3A_3 : i32
    %mul3A_5 = arith.muli %arg1, %select_n3A : i32
    %add3A = arith.addi %mul3A_4, %mul3A_5 : i32
    "tpu.region"() ({
      %run_scoped3A = tpu.sem_alloc : memref<!tpu.dma_semaphore, #tpu.memory_space<semaphore_mem>>
      %dma_start3A = arith.constant 0 : i32
      %dma_start3A_16 = tpu.memref_slice %arg13[%mul3A_0, %dma_start3A] : memref<10240x128xf32, #tpu.memory_space<vmem_shared>> -> memref<640x128xf32, #tpu.memory_space<vmem_shared>>
      %dma_start3A_17 = arith.constant 0 : i32
      %dma_start3A_18 = tpu.memref_slice %arg5[%mul3A_0, %dma_start3A_17] : memref<10240x128xf32, #tpu.memory_space<hbm>> -> memref<640x128xf32, #tpu.memory_space<hbm>>
      tpu.enqueue_dma source(%dma_start3A_18 : memref<640x128xf32, #tpu.memory_space<hbm>>) target(%dma_start3A_16 : memref<640x128xf32, #tpu.memory_space<vmem_shared>>) target_semaphore(%run_scoped3A : memref<!tpu.dma_semaphore, #tpu.memory_space<semaphore_mem>>)
      %dma_wait3A_19 = arith.constant 0 : i32
      %dma_wait3A_20 = tpu.memref_slice %arg13[%mul3A_0, %dma_wait3A_19] : memref<10240x128xf32, #tpu.memory_space<vmem_shared>> -> memref<640x128xf32, #tpu.memory_space<vmem_shared>>
      %dma_wait3A_21 = arith.constant 0 : i32
      %dma_wait3A_22 = tpu.memref_slice %arg5[%mul3A_0, %dma_wait3A_21] : memref<10240x128xf32, #tpu.memory_space<hbm>> -> memref<640x128xf32, #tpu.memory_space<hbm>>
      tpu.wait_dma2 semaphore(%run_scoped3A : memref<!tpu.dma_semaphore, #tpu.memory_space<semaphore_mem>>) src(%dma_wait3A_22 : memref<640x128xf32, #tpu.memory_space<hbm>>) dst(%dma_wait3A_20 : memref<640x128xf32, #tpu.memory_space<vmem_shared>>)
      tpu.yield
    }) : () -> ()
    %barrier3A = arith.constant 0 : index
    tpu.barrier barrier_id(%barrier3A)
    %scan3A = arith.constant 0 : i32
    %scan3A_6 = arith.constant 79 : i32
    %scan3A_7 = arith.addi %scan3A, %scan3A_6 : i32
    %scan3A_8 = arith.constant 1 : i32
    scf.for %scan3A_16 = %scan3A to %scan3A_7 step %scan3A_8  : i32 {
      %mul3A_17 = arith.constant 2 : i32
      %mul3A_18 = arith.muli %scan3A_16, %mul3A_17 : i32
      %add3A_19 = arith.constant 0 : i32
      %add3A_20 = arith.addi %add3A_19, %mul3A_18 : i32
      %lt3A = arith.cmpi slt, %add3A_20, %select_n3A : i32
      %convert_element_type3A = arith.extui %lt3A : i1 to i32
      %cond3A = arith.constant 0 : i32
      %cond3A_21 = arith.cmpi ne, %convert_element_type3A, %cond3A : i32
      scf.if %cond3A_21 {
        %ge3A = arith.constant 2 : i32
        %ge3A_22 = arith.cmpi sge, %add3A_20, %ge3A : i32
        %convert_element_type3A_23 = arith.extui %ge3A_22 : i1 to i32
        %cond3A_24 = arith.constant 0 : i32
        %cond3A_25 = arith.cmpi ne, %convert_element_type3A_23, %cond3A_24 : i32
        scf.if %cond3A_25 {
          %dma_wait3A_54 = arith.constant 0 : i32
          %dma_wait3A_55 = arith.constant 0 : i32
          %dma_wait3A_56 = tpu.memref_slice %arg13[%dma_wait3A_54, %dma_wait3A_55] : memref<10240x128xf32, #tpu.memory_space<vmem_shared>> -> memref<10240x128xf32, #tpu.memory_space<vmem_shared>>
          tpu.wait_indirect_dma semaphore(%arg15 : memref<!tpu.dma_semaphore, #tpu.memory_space<semaphore_mem>>) src(%arg11 : memref<128x128xf32, #tpu.memory_space<vmem>>) dst(%dma_wait3A_56 : memref<10240x128xf32, #tpu.memory_space<vmem_shared>>)
        } else {
        }
        %add3A_26 = arith.addi %add3A, %add3A_20 : i32
        "tpu.region"() ({
          %run_scoped3A = tpu.sem_alloc : memref<!tpu.dma_semaphore, #tpu.memory_space<semaphore_mem>>
          %dma_start3A_54 = arith.constant 0 : i32
          %dma_start3A_55 = tpu.memref_slice %arg3[%add3A_26, %dma_start3A_54] : memref<2528x128xi32, #tpu.memory_space<hbm>> -> memref<1x128xi32, #tpu.memory_space<hbm>>
          %dma_start3A_56 = tpu.memref_squeeze %dma_start3A_55 : memref<1x128xi32, #tpu.memory_space<hbm>> -> memref<128xi32, #tpu.memory_space<hbm>>
          %dma_start3A_57 = arith.constant 0 : i32
          %dma_start3A_58 = tpu.memref_slice %arg3[%add3A_26, %dma_start3A_57] : memref<2528x128xi32, #tpu.memory_space<hbm>> -> memref<1x128xi32, #tpu.memory_space<hbm>>
          %dma_start3A_59 = tpu.memref_squeeze %dma_start3A_58 : memref<1x128xi32, #tpu.memory_space<hbm>> -> memref<128xi32, #tpu.memory_space<hbm>>
          tpu.enqueue_dma source(%dma_start3A_59 : memref<128xi32, #tpu.memory_space<hbm>>) target(%arg7 : memref<128xi32, #tpu.memory_space<vmem>>) target_semaphore(%run_scoped3A : memref<!tpu.dma_semaphore, #tpu.memory_space<semaphore_mem>>)
          %dma_wait3A_60 = arith.constant 0 : i32
          %dma_wait3A_61 = tpu.memref_slice %arg3[%add3A_26, %dma_wait3A_60] : memref<2528x128xi32, #tpu.memory_space<hbm>> -> memref<1x128xi32, #tpu.memory_space<hbm>>
          %dma_wait3A_62 = tpu.memref_squeeze %dma_wait3A_61 : memref<1x128xi32, #tpu.memory_space<hbm>> -> memref<128xi32, #tpu.memory_space<hbm>>
          %dma_wait3A_63 = arith.constant 0 : i32
          %dma_wait3A_64 = tpu.memref_slice %arg3[%add3A_26, %dma_wait3A_63] : memref<2528x128xi32, #tpu.memory_space<hbm>> -> memref<1x128xi32, #tpu.memory_space<hbm>>
          %dma_wait3A_65 = tpu.memref_squeeze %dma_wait3A_64 : memref<1x128xi32, #tpu.memory_space<hbm>> -> memref<128xi32, #tpu.memory_space<hbm>>
          tpu.wait_dma2 semaphore(%run_scoped3A : memref<!tpu.dma_semaphore, #tpu.memory_space<semaphore_mem>>) src(%dma_wait3A_65 : memref<128xi32, #tpu.memory_space<hbm>>) dst(%arg7 : memref<128xi32, #tpu.memory_space<vmem>>)
          tpu.yield
        }) : () -> ()
        %add3A_27 = arith.addi %add3A, %add3A_20 : i32
        "tpu.region"() ({
          %run_scoped3A = tpu.sem_alloc : memref<!tpu.dma_semaphore, #tpu.memory_space<semaphore_mem>>
          %dma_start3A_54 = arith.constant 0 : i32
          %dma_start3A_55 = tpu.memref_slice %arg4[%add3A_27, %dma_start3A_54] : memref<2528x128xi32, #tpu.memory_space<hbm>> -> memref<1x128xi32, #tpu.memory_space<hbm>>
          %dma_start3A_56 = tpu.memref_squeeze %dma_start3A_55 : memref<1x128xi32, #tpu.memory_space<hbm>> -> memref<128xi32, #tpu.memory_space<hbm>>
          %dma_start3A_57 = arith.constant 0 : i32
          %dma_start3A_58 = tpu.memref_slice %arg4[%add3A_27, %dma_start3A_57] : memref<2528x128xi32, #tpu.memory_space<hbm>> -> memref<1x128xi32, #tpu.memory_space<hbm>>
          %dma_start3A_59 = tpu.memref_squeeze %dma_start3A_58 : memref<1x128xi32, #tpu.memory_space<hbm>> -> memref<128xi32, #tpu.memory_space<hbm>>
          tpu.enqueue_dma source(%dma_start3A_59 : memref<128xi32, #tpu.memory_space<hbm>>) target(%arg8 : memref<128xi32, #tpu.memory_space<vmem>>) target_semaphore(%run_scoped3A : memref<!tpu.dma_semaphore, #tpu.memory_space<semaphore_mem>>)
          %dma_wait3A_60 = arith.constant 0 : i32
          %dma_wait3A_61 = tpu.memref_slice %arg4[%add3A_27, %dma_wait3A_60] : memref<2528x128xi32, #tpu.memory_space<hbm>> -> memref<1x128xi32, #tpu.memory_space<hbm>>
          %dma_wait3A_62 = tpu.memref_squeeze %dma_wait3A_61 : memref<1x128xi32, #tpu.memory_space<hbm>> -> memref<128xi32, #tpu.memory_space<hbm>>
          %dma_wait3A_63 = arith.constant 0 : i32
          %dma_wait3A_64 = tpu.memref_slice %arg4[%add3A_27, %dma_wait3A_63] : memref<2528x128xi32, #tpu.memory_space<hbm>> -> memref<1x128xi32, #tpu.memory_space<hbm>>
          %dma_wait3A_65 = tpu.memref_squeeze %dma_wait3A_64 : memref<1x128xi32, #tpu.memory_space<hbm>> -> memref<128xi32, #tpu.memory_space<hbm>>
          tpu.wait_dma2 semaphore(%run_scoped3A : memref<!tpu.dma_semaphore, #tpu.memory_space<semaphore_mem>>) src(%dma_wait3A_65 : memref<128xi32, #tpu.memory_space<hbm>>) dst(%arg8 : memref<128xi32, #tpu.memory_space<vmem>>)
          tpu.yield
        }) : () -> ()
        %dma_start3A = arith.constant 0 : i32
        %dma_start3A_28 = arith.constant 0 : i32
        %dma_start3A_29 = tpu.memref_slice %arg2[%dma_start3A, %dma_start3A_28] : memref<10000x128xf32, #tpu.memory_space<hbm>> -> memref<10000x128xf32, #tpu.memory_space<hbm>>
        tpu.enqueue_indirect_dma source(%dma_start3A_29 : memref<10000x128xf32, #tpu.memory_space<hbm>>) target(%arg11 : memref<128x128xf32, #tpu.memory_space<vmem>>) offsets(%arg7 : memref<128xi32, #tpu.memory_space<vmem>>) semaphore(%arg14 : memref<!tpu.dma_semaphore, #tpu.memory_space<semaphore_mem>>)
        %dma_wait3A_30 = arith.constant 0 : i32
        %dma_wait3A_31 = arith.constant 0 : i32
        %dma_wait3A_32 = tpu.memref_slice %arg2[%dma_wait3A_30, %dma_wait3A_31] : memref<10000x128xf32, #tpu.memory_space<hbm>> -> memref<10000x128xf32, #tpu.memory_space<hbm>>
        tpu.wait_indirect_dma semaphore(%arg14 : memref<!tpu.dma_semaphore, #tpu.memory_space<semaphore_mem>>) src(%dma_wait3A_32 : memref<10000x128xf32, #tpu.memory_space<hbm>>) dst(%arg11 : memref<128x128xf32, #tpu.memory_space<vmem>>)
        %dma_start3A_33 = arith.constant 0 : i32
        %dma_start3A_34 = arith.constant 0 : i32
        %dma_start3A_35 = tpu.memref_slice %arg13[%dma_start3A_33, %dma_start3A_34] : memref<10240x128xf32, #tpu.memory_space<vmem_shared>> -> memref<10240x128xf32, #tpu.memory_space<vmem_shared>>
        tpu.enqueue_indirect_dma source(%arg11 : memref<128x128xf32, #tpu.memory_space<vmem>>) target(%dma_start3A_35 : memref<10240x128xf32, #tpu.memory_space<vmem_shared>>) offsets(%arg8 : memref<128xi32, #tpu.memory_space<vmem>>) semaphore(%arg15 : memref<!tpu.dma_semaphore, #tpu.memory_space<semaphore_mem>>) {add = true}
        %add3A_36 = arith.constant 1 : i32
        %add3A_37 = arith.addi %add3A_20, %add3A_36 : i32
        %ge3A_38 = arith.constant 2 : i32
        %ge3A_39 = arith.cmpi sge, %add3A_37, %ge3A_38 : i32
        %convert_element_type3A_40 = arith.extui %ge3A_39 : i1 to i32
        %cond3A_41 = arith.constant 0 : i32
        %cond3A_42 = arith.cmpi ne, %convert_element_type3A_40, %cond3A_41 : i32
        scf.if %cond3A_42 {
          %dma_wait3A_54 = arith.constant 0 : i32
          %dma_wait3A_55 = arith.constant 0 : i32
          %dma_wait3A_56 = tpu.memref_slice %arg13[%dma_wait3A_54, %dma_wait3A_55] : memref<10240x128xf32, #tpu.memory_space<vmem_shared>> -> memref<10240x128xf32, #tpu.memory_space<vmem_shared>>
          tpu.wait_indirect_dma semaphore(%arg16 : memref<!tpu.dma_semaphore, #tpu.memory_space<semaphore_mem>>) src(%arg12 : memref<128x128xf32, #tpu.memory_space<vmem>>) dst(%dma_wait3A_56 : memref<10240x128xf32, #tpu.memory_space<vmem_shared>>)
        } else {
        }
        %add3A_43 = arith.addi %add3A, %add3A_37 : i32
        "tpu.region"() ({
          %run_scoped3A = tpu.sem_alloc : memref<!tpu.dma_semaphore, #tpu.memory_space<semaphore_mem>>
          %dma_start3A_54 = arith.constant 0 : i32
          %dma_start3A_55 = tpu.memref_slice %arg3[%add3A_43, %dma_start3A_54] : memref<2528x128xi32, #tpu.memory_space<hbm>> -> memref<1x128xi32, #tpu.memory_space<hbm>>
          %dma_start3A_56 = tpu.memref_squeeze %dma_start3A_55 : memref<1x128xi32, #tpu.memory_space<hbm>> -> memref<128xi32, #tpu.memory_space<hbm>>
          %dma_start3A_57 = arith.constant 0 : i32
          %dma_start3A_58 = tpu.memref_slice %arg3[%add3A_43, %dma_start3A_57] : memref<2528x128xi32, #tpu.memory_space<hbm>> -> memref<1x128xi32, #tpu.memory_space<hbm>>
          %dma_start3A_59 = tpu.memref_squeeze %dma_start3A_58 : memref<1x128xi32, #tpu.memory_space<hbm>> -> memref<128xi32, #tpu.memory_space<hbm>>
          tpu.enqueue_dma source(%dma_start3A_59 : memref<128xi32, #tpu.memory_space<hbm>>) target(%arg9 : memref<128xi32, #tpu.memory_space<vmem>>) target_semaphore(%run_scoped3A : memref<!tpu.dma_semaphore, #tpu.memory_space<semaphore_mem>>)
          %dma_wait3A_60 = arith.constant 0 : i32
          %dma_wait3A_61 = tpu.memref_slice %arg3[%add3A_43, %dma_wait3A_60] : memref<2528x128xi32, #tpu.memory_space<hbm>> -> memref<1x128xi32, #tpu.memory_space<hbm>>
          %dma_wait3A_62 = tpu.memref_squeeze %dma_wait3A_61 : memref<1x128xi32, #tpu.memory_space<hbm>> -> memref<128xi32, #tpu.memory_space<hbm>>
          %dma_wait3A_63 = arith.constant 0 : i32
          %dma_wait3A_64 = tpu.memref_slice %arg3[%add3A_43, %dma_wait3A_63] : memref<2528x128xi32, #tpu.memory_space<hbm>> -> memref<1x128xi32, #tpu.memory_space<hbm>>
          %dma_wait3A_65 = tpu.memref_squeeze %dma_wait3A_64 : memref<1x128xi32, #tpu.memory_space<hbm>> -> memref<128xi32, #tpu.memory_space<hbm>>
          tpu.wait_dma2 semaphore(%run_scoped3A : memref<!tpu.dma_semaphore, #tpu.memory_space<semaphore_mem>>) src(%dma_wait3A_65 : memref<128xi32, #tpu.memory_space<hbm>>) dst(%arg9 : memref<128xi32, #tpu.memory_space<vmem>>)
          tpu.yield
        }) : () -> ()
        %add3A_44 = arith.addi %add3A, %add3A_37 : i32
        "tpu.region"() ({
          %run_scoped3A = tpu.sem_alloc : memref<!tpu.dma_semaphore, #tpu.memory_space<semaphore_mem>>
          %dma_start3A_54 = arith.constant 0 : i32
          %dma_start3A_55 = tpu.memref_slice %arg4[%add3A_44, %dma_start3A_54] : memref<2528x128xi32, #tpu.memory_space<hbm>> -> memref<1x128xi32, #tpu.memory_space<hbm>>
          %dma_start3A_56 = tpu.memref_squeeze %dma_start3A_55 : memref<1x128xi32, #tpu.memory_space<hbm>> -> memref<128xi32, #tpu.memory_space<hbm>>
          %dma_start3A_57 = arith.constant 0 : i32
          %dma_start3A_58 = tpu.memref_slice %arg4[%add3A_44, %dma_start3A_57] : memref<2528x128xi32, #tpu.memory_space<hbm>> -> memref<1x128xi32, #tpu.memory_space<hbm>>
          %dma_start3A_59 = tpu.memref_squeeze %dma_start3A_58 : memref<1x128xi32, #tpu.memory_space<hbm>> -> memref<128xi32, #tpu.memory_space<hbm>>
          tpu.enqueue_dma source(%dma_start3A_59 : memref<128xi32, #tpu.memory_space<hbm>>) target(%arg10 : memref<128xi32, #tpu.memory_space<vmem>>) target_semaphore(%run_scoped3A : memref<!tpu.dma_semaphore, #tpu.memory_space<semaphore_mem>>)
          %dma_wait3A_60 = arith.constant 0 : i32
          %dma_wait3A_61 = tpu.memref_slice %arg4[%add3A_44, %dma_wait3A_60] : memref<2528x128xi32, #tpu.memory_space<hbm>> -> memref<1x128xi32, #tpu.memory_space<hbm>>
          %dma_wait3A_62 = tpu.memref_squeeze %dma_wait3A_61 : memref<1x128xi32, #tpu.memory_space<hbm>> -> memref<128xi32, #tpu.memory_space<hbm>>
          %dma_wait3A_63 = arith.constant 0 : i32
          %dma_wait3A_64 = tpu.memref_slice %arg4[%add3A_44, %dma_wait3A_63] : memref<2528x128xi32, #tpu.memory_space<hbm>> -> memref<1x128xi32, #tpu.memory_space<hbm>>
          %dma_wait3A_65 = tpu.memref_squeeze %dma_wait3A_64 : memref<1x128xi32, #tpu.memory_space<hbm>> -> memref<128xi32, #tpu.memory_space<hbm>>
          tpu.wait_dma2 semaphore(%run_scoped3A : memref<!tpu.dma_semaphore, #tpu.memory_space<semaphore_mem>>) src(%dma_wait3A_65 : memref<128xi32, #tpu.memory_space<hbm>>) dst(%arg10 : memref<128xi32, #tpu.memory_space<vmem>>)
          tpu.yield
        }) : () -> ()
        %dma_start3A_45 = arith.constant 0 : i32
        %dma_start3A_46 = arith.constant 0 : i32
        %dma_start3A_47 = tpu.memref_slice %arg2[%dma_start3A_45, %dma_start3A_46] : memref<10000x128xf32, #tpu.memory_space<hbm>> -> memref<10000x128xf32, #tpu.memory_space<hbm>>
        tpu.enqueue_indirect_dma source(%dma_start3A_47 : memref<10000x128xf32, #tpu.memory_space<hbm>>) target(%arg12 : memref<128x128xf32, #tpu.memory_space<vmem>>) offsets(%arg9 : memref<128xi32, #tpu.memory_space<vmem>>) semaphore(%arg14 : memref<!tpu.dma_semaphore, #tpu.memory_space<semaphore_mem>>)
        %dma_wait3A_48 = arith.constant 0 : i32
        %dma_wait3A_49 = arith.constant 0 : i32
        %dma_wait3A_50 = tpu.memref_slice %arg2[%dma_wait3A_48, %dma_wait3A_49] : memref<10000x128xf32, #tpu.memory_space<hbm>> -> memref<10000x128xf32, #tpu.memory_space<hbm>>
        tpu.wait_indirect_dma semaphore(%arg14 : memref<!tpu.dma_semaphore, #tpu.memory_space<semaphore_mem>>) src(%dma_wait3A_50 : memref<10000x128xf32, #tpu.memory_space<hbm>>) dst(%arg12 : memref<128x128xf32, #tpu.memory_space<vmem>>)
        %dma_start3A_51 = arith.constant 0 : i32
        %dma_start3A_52 = arith.constant 0 : i32
        %dma_start3A_53 = tpu.memref_slice %arg13[%dma_start3A_51, %dma_start3A_52] : memref<10240x128xf32, #tpu.memory_space<vmem_shared>> -> memref<10240x128xf32, #tpu.memory_space<vmem_shared>>
        tpu.enqueue_indirect_dma source(%arg12 : memref<128x128xf32, #tpu.memory_space<vmem>>) target(%dma_start3A_53 : memref<10240x128xf32, #tpu.memory_space<vmem_shared>>) offsets(%arg10 : memref<128xi32, #tpu.memory_space<vmem>>) semaphore(%arg16 : memref<!tpu.dma_semaphore, #tpu.memory_space<semaphore_mem>>) {add = true}
      } else {
      }
    }
    %scan3A_9 = arith.constant 79 : i32
    %dma_wait3A = arith.constant 0 : i32
    %dma_wait3A_10 = arith.constant 0 : i32
    %dma_wait3A_11 = tpu.memref_slice %arg13[%dma_wait3A, %dma_wait3A_10] : memref<10240x128xf32, #tpu.memory_space<vmem_shared>> -> memref<10240x128xf32, #tpu.memory_space<vmem_shared>>
    tpu.wait_indirect_dma semaphore(%arg15 : memref<!tpu.dma_semaphore, #tpu.memory_space<semaphore_mem>>) src(%arg11 : memref<128x128xf32, #tpu.memory_space<vmem>>) dst(%dma_wait3A_11 : memref<10240x128xf32, #tpu.memory_space<vmem_shared>>)
    %dma_wait3A_12 = arith.constant 0 : i32
    %dma_wait3A_13 = arith.constant 0 : i32
    %dma_wait3A_14 = tpu.memref_slice %arg13[%dma_wait3A_12, %dma_wait3A_13] : memref<10240x128xf32, #tpu.memory_space<vmem_shared>> -> memref<10240x128xf32, #tpu.memory_space<vmem_shared>>
    tpu.wait_indirect_dma semaphore(%arg16 : memref<!tpu.dma_semaphore, #tpu.memory_space<semaphore_mem>>) src(%arg12 : memref<128x128xf32, #tpu.memory_space<vmem>>) dst(%dma_wait3A_14 : memref<10240x128xf32, #tpu.memory_space<vmem_shared>>)
    %barrier3A_15 = arith.constant 0 : index
    tpu.barrier barrier_id(%barrier3A_15)
    "tpu.region"() ({
      %run_scoped3A = tpu.sem_alloc : memref<!tpu.dma_semaphore, #tpu.memory_space<semaphore_mem>>
      %dma_start3A = arith.constant 0 : i32
      %dma_start3A_16 = arith.constant 0 : i32
      %dma_start3A_17 = tpu.memref_slice %arg6[%arg0, %dma_start3A, %dma_start3A_16] : memref<2x10240x128xf32, #tpu.memory_space<hbm>> -> memref<1x10240x128xf32, #tpu.memory_space<hbm>>
      %dma_start3A_18 = tpu.memref_squeeze %dma_start3A_17 : memref<1x10240x128xf32, #tpu.memory_space<hbm>> -> memref<10240x128xf32, #tpu.memory_space<hbm>>
      %dma_start3A_19 = arith.constant 0 : i32
      %dma_start3A_20 = tpu.memref_slice %dma_start3A_18[%mul3A_0, %dma_start3A_19] : memref<10240x128xf32, #tpu.memory_space<hbm>> -> memref<640x128xf32, #tpu.memory_space<hbm>>
      %dma_start3A_21 = arith.constant 0 : i32
      %dma_start3A_22 = tpu.memref_slice %arg13[%mul3A_0, %dma_start3A_21] : memref<10240x128xf32, #tpu.memory_space<vmem_shared>> -> memref<640x128xf32, #tpu.memory_space<vmem_shared>>
      tpu.enqueue_dma source(%dma_start3A_22 : memref<640x128xf32, #tpu.memory_space<vmem_shared>>) target(%dma_start3A_20 : memref<640x128xf32, #tpu.memory_space<hbm>>) target_semaphore(%run_scoped3A : memref<!tpu.dma_semaphore, #tpu.memory_space<semaphore_mem>>)
      %dma_wait3A_23 = arith.constant 0 : i32
      %dma_wait3A_24 = arith.constant 0 : i32
      %dma_wait3A_25 = tpu.memref_slice %arg6[%arg0, %dma_wait3A_23, %dma_wait3A_24] : memref<2x10240x128xf32, #tpu.memory_space<hbm>> -> memref<1x10240x128xf32, #tpu.memory_space<hbm>>
      %dma_wait3A_26 = tpu.memref_squeeze %dma_wait3A_25 : memref<1x10240x128xf32, #tpu.memory_space<hbm>> -> memref<10240x128xf32, #tpu.memory_space<hbm>>
      %dma_wait3A_27 = arith.constant 0 : i32
      %dma_wait3A_28 = tpu.memref_slice %dma_wait3A_26[%mul3A_0, %dma_wait3A_27] : memref<10240x128xf32, #tpu.memory_space<hbm>> -> memref<640x128xf32, #tpu.memory_space<hbm>>
      %dma_wait3A_29 = arith.constant 0 : i32
      %dma_wait3A_30 = tpu.memref_slice %arg13[%mul3A_0, %dma_wait3A_29] : memref<10240x128xf32, #tpu.memory_space<vmem_shared>> -> memref<640x128xf32, #tpu.memory_space<vmem_shared>>
      tpu.wait_dma2 semaphore(%run_scoped3A : memref<!tpu.dma_semaphore, #tpu.memory_space<semaphore_mem>>) src(%dma_wait3A_30 : memref<640x128xf32, #tpu.memory_space<vmem_shared>>) dst(%dma_wait3A_28 : memref<640x128xf32, #tpu.memory_space<hbm>>)
      tpu.yield
    }) : () -> ()
    return
  }
}

#map = affine_map<(d0, d1) -> (0, 0)>
#map1 = affine_map<(d0, d1) -> (0)>
module attributes {stable_mosaic.version = 14 : i64} {
  func.func @k(%arg0: i32, %arg1: i32, %arg2: memref<2528x128xi32, #tpu.memory_space<hbm>>, %arg3: memref<10240xf32, #tpu.memory_space<hbm>>, %arg4: memref<2x10240xf32, #tpu.memory_space<hbm>>, %arg5: memref<128xi32, #tpu.memory_space<vmem>>, %arg6: memref<128xf32, #tpu.memory_space<vmem>>, %arg7: memref<10240xf32, #tpu.memory_space<vmem_shared>>) attributes {dimension_semantics = [#tpu.dimension_semantics<core_parallel>, #tpu.dimension_semantics<subcore_parallel>], iteration_bounds = array<i64: 2, 16>, scalar_prefetch = 0 : i64, scratch_operands = 3 : i64, tpu.core_type = #tpu.core_type<sc_vector_subcore>, window_params = [{transform_indices = #map}, {transform_indices = #map1}, {transform_indices = #map}]} {
    %mul3A = arith.constant 640 : i32
    %mul3A_0 = arith.muli %arg1, %mul3A : i32
    %mul3A_1 = arith.constant 2 : i32
    %mul3A_2 = arith.muli %arg1, %mul3A_1 : i32
    %add3A = arith.addi %mul3A_2, %arg0 : i32
    %mul3A_3 = arith.constant 79 : i32
    %mul3A_4 = arith.muli %add3A, %mul3A_3 : i32
    %scan3A = arith.constant 0 : i32
    %scan3A_5 = arith.constant 8 : i32
    %scan3A_6 = arith.addi %scan3A, %scan3A_5 : i32
    %scan3A_7 = arith.constant 1 : i32
    scf.for %scan3A_15 = %scan3A to %scan3A_6 step %scan3A_7  : i32 {
      %mul3A_16 = arith.constant 16 : i32
      %mul3A_17 = arith.muli %scan3A_15, %mul3A_16 : i32
      %add3A_18 = arith.constant 0 : i32
      %add3A_19 = arith.addi %add3A_18, %mul3A_17 : i32
      %broadcast_in_dim3A = arith.constant 1.000000e+00 : f32
      %broadcast_in_dim3A_20 = vector.broadcast %broadcast_in_dim3A : f32 to vector<16xf32>
      %swap3A = arith.index_cast %add3A_19 : i32 to index
      %swap3A_21 = tpu.vector_load %arg6[%swap3A] {strides = array<i32>} : memref<128xf32, #tpu.memory_space<vmem>>, vector<16xf32>,
      %swap3A_22 = vector.shape_cast %swap3A_21 : vector<16xf32> to vector<16xf32>
      %swap3A_23 = vector.shape_cast %broadcast_in_dim3A_20 : vector<16xf32> to vector<16xf32>
      tpu.vector_store %arg6[%swap3A], %swap3A_23 {strides = array<i32>} : memref<128xf32, #tpu.memory_space<vmem>>, vector<16xf32>,
    }
    %scan3A_8 = arith.constant 8 : i32
    "tpu.region"() ({
      %run_scoped3A = tpu.sem_alloc : memref<!tpu.dma_semaphore, #tpu.memory_space<semaphore_mem>>
      %dma_start3A = tpu.memref_slice %arg7[%mul3A_0] : memref<10240xf32, #tpu.memory_space<vmem_shared>> -> memref<640xf32, #tpu.memory_space<vmem_shared>>
      %dma_start3A_15 = tpu.memref_slice %arg3[%mul3A_0] : memref<10240xf32, #tpu.memory_space<hbm>> -> memref<640xf32, #tpu.memory_space<hbm>>
      tpu.enqueue_dma source(%dma_start3A_15 : memref<640xf32, #tpu.memory_space<hbm>>) target(%dma_start3A : memref<640xf32, #tpu.memory_space<vmem_shared>>) target_semaphore(%run_scoped3A : memref<!tpu.dma_semaphore, #tpu.memory_space<semaphore_mem>>)
      %dma_wait3A = tpu.memref_slice %arg7[%mul3A_0] : memref<10240xf32, #tpu.memory_space<vmem_shared>> -> memref<640xf32, #tpu.memory_space<vmem_shared>>
      %dma_wait3A_16 = tpu.memref_slice %arg3[%mul3A_0] : memref<10240xf32, #tpu.memory_space<hbm>> -> memref<640xf32, #tpu.memory_space<hbm>>
      tpu.wait_dma2 semaphore(%run_scoped3A : memref<!tpu.dma_semaphore, #tpu.memory_space<semaphore_mem>>) src(%dma_wait3A_16 : memref<640xf32, #tpu.memory_space<hbm>>) dst(%dma_wait3A : memref<640xf32, #tpu.memory_space<vmem_shared>>)
      tpu.yield
    }) : () -> ()
    %barrier3A = arith.constant 0 : index
    tpu.barrier barrier_id(%barrier3A)
    %scan3A_9 = arith.constant 0 : i32
    %scan3A_10 = arith.constant 79 : i32
    %scan3A_11 = arith.addi %scan3A_9, %scan3A_10 : i32
    %scan3A_12 = arith.constant 1 : i32
    scf.for %scan3A_15 = %scan3A_9 to %scan3A_11 step %scan3A_12  : i32 {
      %mul3A_16 = arith.constant 1 : i32
      %mul3A_17 = arith.muli %scan3A_15, %mul3A_16 : i32
      %add3A_18 = arith.constant 0 : i32
      %add3A_19 = arith.addi %add3A_18, %mul3A_17 : i32
      %add3A_20 = arith.addi %mul3A_4, %add3A_19 : i32
      "tpu.region"() ({
        %run_scoped3A = tpu.sem_alloc : memref<!tpu.dma_semaphore, #tpu.memory_space<semaphore_mem>>
        %dma_start3A = arith.constant 0 : i32
        %dma_start3A_21 = tpu.memref_slice %arg2[%add3A_20, %dma_start3A] : memref<2528x128xi32, #tpu.memory_space<hbm>> -> memref<1x128xi32, #tpu.memory_space<hbm>>
        %dma_start3A_22 = tpu.memref_squeeze %dma_start3A_21 : memref<1x128xi32, #tpu.memory_space<hbm>> -> memref<128xi32, #tpu.memory_space<hbm>>
        %dma_start3A_23 = arith.constant 0 : i32
        %dma_start3A_24 = tpu.memref_slice %arg2[%add3A_20, %dma_start3A_23] : memref<2528x128xi32, #tpu.memory_space<hbm>> -> memref<1x128xi32, #tpu.memory_space<hbm>>
        %dma_start3A_25 = tpu.memref_squeeze %dma_start3A_24 : memref<1x128xi32, #tpu.memory_space<hbm>> -> memref<128xi32, #tpu.memory_space<hbm>>
        tpu.enqueue_dma source(%dma_start3A_25 : memref<128xi32, #tpu.memory_space<hbm>>) target(%arg5 : memref<128xi32, #tpu.memory_space<vmem>>) target_semaphore(%run_scoped3A : memref<!tpu.dma_semaphore, #tpu.memory_space<semaphore_mem>>)
        %dma_wait3A = arith.constant 0 : i32
        %dma_wait3A_26 = tpu.memref_slice %arg2[%add3A_20, %dma_wait3A] : memref<2528x128xi32, #tpu.memory_space<hbm>> -> memref<1x128xi32, #tpu.memory_space<hbm>>
        %dma_wait3A_27 = tpu.memref_squeeze %dma_wait3A_26 : memref<1x128xi32, #tpu.memory_space<hbm>> -> memref<128xi32, #tpu.memory_space<hbm>>
        %dma_wait3A_28 = arith.constant 0 : i32
        %dma_wait3A_29 = tpu.memref_slice %arg2[%add3A_20, %dma_wait3A_28] : memref<2528x128xi32, #tpu.memory_space<hbm>> -> memref<1x128xi32, #tpu.memory_space<hbm>>
        %dma_wait3A_30 = tpu.memref_squeeze %dma_wait3A_29 : memref<1x128xi32, #tpu.memory_space<hbm>> -> memref<128xi32, #tpu.memory_space<hbm>>
        tpu.wait_dma2 semaphore(%run_scoped3A : memref<!tpu.dma_semaphore, #tpu.memory_space<semaphore_mem>>) src(%dma_wait3A_30 : memref<128xi32, #tpu.memory_space<hbm>>) dst(%arg5 : memref<128xi32, #tpu.memory_space<vmem>>)
        tpu.yield
      }) : () -> ()
      "tpu.region"() ({
        %run_scoped3A = tpu.sem_alloc : memref<!tpu.dma_semaphore, #tpu.memory_space<semaphore_mem>>
        %dma_start3A = arith.constant 0 : i32
        %dma_start3A_21 = tpu.memref_slice %arg7[%dma_start3A] : memref<10240xf32, #tpu.memory_space<vmem_shared>> -> memref<10240xf32, #tpu.memory_space<vmem_shared>>
        tpu.enqueue_indirect_dma source(%arg6 : memref<128xf32, #tpu.memory_space<vmem>>) target(%dma_start3A_21 : memref<10240xf32, #tpu.memory_space<vmem_shared>>) offsets(%arg5 : memref<128xi32, #tpu.memory_space<vmem>>) semaphore(%run_scoped3A : memref<!tpu.dma_semaphore, #tpu.memory_space<semaphore_mem>>) {add = true}
        %dma_wait3A = arith.constant 0 : i32
        %dma_wait3A_22 = tpu.memref_slice %arg7[%dma_wait3A] : memref<10240xf32, #tpu.memory_space<vmem_shared>> -> memref<10240xf32, #tpu.memory_space<vmem_shared>>
        tpu.wait_indirect_dma semaphore(%run_scoped3A : memref<!tpu.dma_semaphore, #tpu.memory_space<semaphore_mem>>) src(%arg6 : memref<128xf32, #tpu.memory_space<vmem>>) dst(%dma_wait3A_22 : memref<10240xf32, #tpu.memory_space<vmem_shared>>)
        tpu.yield
      }) : () -> ()
    }
    %scan3A_13 = arith.constant 79 : i32
    %barrier3A_14 = arith.constant 0 : index
    tpu.barrier barrier_id(%barrier3A_14)
    "tpu.region"() ({
      %run_scoped3A = tpu.sem_alloc : memref<!tpu.dma_semaphore, #tpu.memory_space<semaphore_mem>>
      %dma_start3A = arith.constant 0 : i32
      %dma_start3A_15 = tpu.memref_slice %arg4[%arg0, %dma_start3A] : memref<2x10240xf32, #tpu.memory_space<hbm>> -> memref<1x10240xf32, #tpu.memory_space<hbm>>
      %dma_start3A_16 = tpu.memref_squeeze %dma_start3A_15 : memref<1x10240xf32, #tpu.memory_space<hbm>> -> memref<10240xf32, #tpu.memory_space<hbm>>
      %dma_start3A_17 = tpu.memref_slice %dma_start3A_16[%mul3A_0] : memref<10240xf32, #tpu.memory_space<hbm>> -> memref<640xf32, #tpu.memory_space<hbm>>
      %dma_start3A_18 = tpu.memref_slice %arg7[%mul3A_0] : memref<10240xf32, #tpu.memory_space<vmem_shared>> -> memref<640xf32, #tpu.memory_space<vmem_shared>>
      tpu.enqueue_dma source(%dma_start3A_18 : memref<640xf32, #tpu.memory_space<vmem_shared>>) target(%dma_start3A_17 : memref<640xf32, #tpu.memory_space<hbm>>) target_semaphore(%run_scoped3A : memref<!tpu.dma_semaphore, #tpu.memory_space<semaphore_mem>>)
      %dma_wait3A = arith.constant 0 : i32
      %dma_wait3A_19 = tpu.memref_slice %arg4[%arg0, %dma_wait3A] : memref<2x10240xf32, #tpu.memory_space<hbm>> -> memref<1x10240xf32, #tpu.memory_space<hbm>>
      %dma_wait3A_20 = tpu.memref_squeeze %dma_wait3A_19 : memref<1x10240xf32, #tpu.memory_space<hbm>> -> memref<10240xf32, #tpu.memory_space<hbm>>
      %dma_wait3A_21 = tpu.memref_slice %dma_wait3A_20[%mul3A_0] : memref<10240xf32, #tpu.memory_space<hbm>> -> memref<640xf32, #tpu.memory_space<hbm>>
      %dma_wait3A_22 = tpu.memref_slice %arg7[%mul3A_0] : memref<10240xf32, #tpu.memory_space<vmem_shared>> -> memref<640xf32, #tpu.memory_space<vmem_shared>>
      tpu.wait_dma2 semaphore(%run_scoped3A : memref<!tpu.dma_semaphore, #tpu.memory_space<semaphore_mem>>) src(%dma_wait3A_22 : memref<640xf32, #tpu.memory_space<vmem_shared>>) dst(%dma_wait3A_21 : memref<640xf32, #tpu.memory_space<hbm>>)
      tpu.yield
    }) : () -> ()
    return
  }
}

module attributes {stable_mosaic.version = 14 : i64} {
  func.func @body(%arg0: i32, %arg1: memref<2000x128xf32, #tpu.memory_space<vmem>>, %arg2: memref<128x128xf32, #tpu.memory_space<vmem>>, %arg3: memref<2000x128xf32, #tpu.memory_space<vmem>>) attributes {dimension_semantics = [#tpu.dimension_semantics<arbitrary>], iteration_bounds = array<i64: 5>, scalar_prefetch = 0 : i64, scratch_operands = 0 : i64, tpu.core_type = #tpu.core_type<tc>, window_params = [{transform_indices = @transform_0, window_bounds = array<i64: 2000, 128>}, {pipeline_mode = #tpu.pipeline_mode<synchronous>, transform_indices = @transform_1, window_bounds = array<i64: 128, 128>}, {transform_indices = @transform_2, window_bounds = array<i64: 2000, 128>}]} {
    %get3A = arith.constant 0 : index
    %get3A_0 = arith.constant 0 : index
    %get3A_1 = vector.load %arg1[%get3A, %get3A_0] : memref<2000x128xf32, #tpu.memory_space<vmem>>, vector<2000x128xf32>
    %get3A_2 = arith.constant 0 : index
    %get3A_3 = arith.constant 0 : index
    %get3A_4 = vector.load %arg2[%get3A_2, %get3A_3] : memref<128x128xf32, #tpu.memory_space<vmem>>, vector<128x128xf32>
    %dot_general3A = arith.constant dense<0.000000e+00> : vector<2000x128xf32>
    %dot_general3A_5 = tpu.matmul %get3A_1, %get3A_4, %dot_general3A {dimension_numbers = #tpu.dot_dimension_numbers<[1], [0], [0], [1], [0, 0, 1, 1], [], []>, transpose_lhs_hint = false} : vector<2000x128xf32>, vector<128x128xf32>, vector<2000x128xf32> -> vector<2000x128xf32>
    %swap3A = arith.constant 0 : index
    %swap3A_6 = arith.constant 0 : index
    %swap3A_7 = vector.load %arg3[%swap3A, %swap3A_6] : memref<2000x128xf32, #tpu.memory_space<vmem>>, vector<2000x128xf32>
    tpu.vector_store %arg3[%swap3A, %swap3A_6], %dot_general3A_5 {strides = array<i32>} : memref<2000x128xf32, #tpu.memory_space<vmem>>, vector<2000x128xf32>,
    return
  }
  func.func @transform_0(%arg0: i32) -> (i32, i32) {
    %c0_i32 = arith.constant 0 : i32
    %c0_i32_0 = arith.constant 0 : i32
    return %arg0, %c0_i32 : i32, i32
  }
  func.func @transform_1(%arg0: i32) -> (i32, i32) {
    %c0_i32 = arith.constant 0 : i32
    %c0_i32_0 = arith.constant 0 : i32
    %c0_i32_1 = arith.constant 0 : i32
    return %c0_i32, %c0_i32_0 : i32, i32
  }
  func.func @transform_2(%arg0: i32) -> (i32, i32) {
    %c0_i32 = arith.constant 0 : i32
    %c0_i32_0 = arith.constant 0 : i32
    return %arg0, %c0_i32 : i32, i32
  }
}

module attributes {stable_mosaic.version = 14 : i64} {
  func.func @body(%arg0: i32, %arg1: memref<2000x128xf32, #tpu.memory_space<vmem>>, %arg2: memref<1x2000x1xf32, #tpu.memory_space<vmem>>, %arg3: memref<1x2000x1xf32, #tpu.memory_space<vmem>>, %arg4: memref<2000x128xf32, #tpu.memory_space<vmem>>, %arg5: memref<2000x1xf32, #tpu.memory_space<vmem>>) attributes {dimension_semantics = [#tpu.dimension_semantics<arbitrary>], iteration_bounds = array<i64: 5>, scalar_prefetch = 0 : i64, scratch_operands = 0 : i64, tpu.core_type = #tpu.core_type<tc>, window_params = [{transform_indices = @transform_0, window_bounds = array<i64: 2000, 128>}, {transform_indices = @transform_1, window_bounds = array<i64: 1, 2000, 1>}, {transform_indices = @transform_2, window_bounds = array<i64: 1, 2000, 1>}, {transform_indices = @transform_3, window_bounds = array<i64: 2000, 128>}, {transform_indices = @transform_4, window_bounds = array<i64: 2000, 1>}]} {
    %get3A = arith.constant 0 : index
    %get3A_0 = arith.constant 0 : index
    %get3A_1 = arith.constant 0 : index
    %get3A_2 = vector.load %arg2[%get3A, %get3A_0, %get3A_1] : memref<1x2000x1xf32, #tpu.memory_space<vmem>>, vector<1x2000x1xf32>
    %get3A_3 = vector.shape_cast %get3A_2 : vector<1x2000x1xf32> to vector<2000x1xf32>
    %get3A_4 = arith.constant 0 : index
    %get3A_5 = arith.constant 0 : index
    %get3A_6 = arith.constant 0 : index
    %get3A_7 = vector.load %arg3[%get3A_4, %get3A_5, %get3A_6] : memref<1x2000x1xf32, #tpu.memory_space<vmem>>, vector<1x2000x1xf32>
    %get3A_8 = vector.shape_cast %get3A_7 : vector<1x2000x1xf32> to vector<2000x1xf32>
    %add3A = arith.addf %get3A_3, %get3A_8 : vector<2000x1xf32>
    %add3A_9 = arith.constant 1.000000e+00 : f32
    %add3A_10 = vector.broadcast %add3A_9 : f32 to vector<2000x1xf32>
    %add3A_11 = arith.addf %add3A, %add3A_10 : vector<2000x1xf32>
    %rsqrt3A = math.rsqrt %add3A_11 : vector<2000x1xf32>
    %swap3A = arith.constant 0 : index
    %swap3A_12 = arith.constant 0 : index
    %swap3A_13 = vector.load %arg5[%swap3A, %swap3A_12] : memref<2000x1xf32, #tpu.memory_space<vmem>>, vector<2000x1xf32>
    tpu.vector_store %arg5[%swap3A, %swap3A_12], %rsqrt3A {strides = array<i32>} : memref<2000x1xf32, #tpu.memory_space<vmem>>, vector<2000x1xf32>,
    %get3A_14 = arith.constant 0 : index
    %get3A_15 = arith.constant 0 : index
    %get3A_16 = vector.load %arg1[%get3A_14, %get3A_15] : memref<2000x128xf32, #tpu.memory_space<vmem>>, vector<2000x128xf32>
    %mul3A = vector.broadcast %rsqrt3A : vector<2000x1xf32> to vector<2000x128xf32>
    %mul3A_17 = arith.mulf %get3A_16, %mul3A : vector<2000x128xf32>
    %swap3A_18 = arith.constant 0 : index
    %swap3A_19 = arith.constant 0 : index
    %swap3A_20 = vector.load %arg4[%swap3A_18, %swap3A_19] : memref<2000x128xf32, #tpu.memory_space<vmem>>, vector<2000x128xf32>
    tpu.vector_store %arg4[%swap3A_18, %swap3A_19], %mul3A_17 {strides = array<i32>} : memref<2000x128xf32, #tpu.memory_space<vmem>>, vector<2000x128xf32>,
    return
  }
  func.func @transform_0(%arg0: i32) -> (i32, i32) {
    %c0_i32 = arith.constant 0 : i32
    %c0_i32_0 = arith.constant 0 : i32
    return %arg0, %c0_i32 : i32, i32
  }
  func.func @transform_1(%arg0: i32) -> (i32, i32, i32) {
    %c0_i32 = arith.constant 0 : i32
    %c0_i32_0 = arith.constant 0 : i32
    %c0_i32_1 = arith.constant 0 : i32
    return %c0_i32, %arg0, %c0_i32_0 : i32, i32, i32
  }
  func.func @transform_2(%arg0: i32) -> (i32, i32, i32) {
    %c1_i32 = arith.constant 1 : i32
    %c0_i32 = arith.constant 0 : i32
    %c0_i32_0 = arith.constant 0 : i32
    return %c1_i32, %arg0, %c0_i32 : i32, i32, i32
  }
  func.func @transform_3(%arg0: i32) -> (i32, i32) {
    %c0_i32 = arith.constant 0 : i32
    %c0_i32_0 = arith.constant 0 : i32
    return %arg0, %c0_i32 : i32, i32
  }
  func.func @transform_4(%arg0: i32) -> (i32, i32) {
    %c0_i32 = arith.constant 0 : i32
    %c0_i32_0 = arith.constant 0 : i32
    return %arg0, %c0_i32 : i32, i32
  }
}

module attributes {stable_mosaic.version = 14 : i64} {
  func.func @body(%arg0: i32, %arg1: memref<1x2000x128xf32, #tpu.memory_space<vmem>>, %arg2: memref<1x2000x128xf32, #tpu.memory_space<vmem>>, %arg3: memref<2000x128xf32, #tpu.memory_space<vmem>>, %arg4: memref<2000x1xf32, #tpu.memory_space<vmem>>, %arg5: memref<128xf32, #tpu.memory_space<vmem>>, %arg6: memref<128x128xf32, #tpu.memory_space<vmem>>, %arg7: memref<2000x128xf32, #tpu.memory_space<vmem>>) attributes {dimension_semantics = [#tpu.dimension_semantics<arbitrary>], iteration_bounds = array<i64: 5>, scalar_prefetch = 0 : i64, scratch_operands = 0 : i64, tpu.core_type = #tpu.core_type<tc>, window_params = [{transform_indices = @transform_0, window_bounds = array<i64: 1, 2000, 128>}, {transform_indices = @transform_1, window_bounds = array<i64: 1, 2000, 128>}, {transform_indices = @transform_2, window_bounds = array<i64: 2000, 128>}, {transform_indices = @transform_3, window_bounds = array<i64: 2000, 1>}, {pipeline_mode = #tpu.pipeline_mode<synchronous>, transform_indices = @transform_4, window_bounds = array<i64: 128>}, {pipeline_mode = #tpu.pipeline_mode<synchronous>, transform_indices = @transform_5, window_bounds = array<i64: 128, 128>}, {transform_indices = @transform_6, window_bounds = array<i64: 2000, 128>}]} {
    %get3A = arith.constant 0 : index
    %get3A_0 = arith.constant 0 : index
    %get3A_1 = arith.constant 0 : index
    %get3A_2 = vector.load %arg1[%get3A, %get3A_0, %get3A_1] : memref<1x2000x128xf32, #tpu.memory_space<vmem>>, vector<1x2000x128xf32>
    %get3A_3 = vector.shape_cast %get3A_2 : vector<1x2000x128xf32> to vector<2000x128xf32>
    %get3A_4 = arith.constant 0 : index
    %get3A_5 = arith.constant 0 : index
    %get3A_6 = arith.constant 0 : index
    %get3A_7 = vector.load %arg2[%get3A_4, %get3A_5, %get3A_6] : memref<1x2000x128xf32, #tpu.memory_space<vmem>>, vector<1x2000x128xf32>
    %get3A_8 = vector.shape_cast %get3A_7 : vector<1x2000x128xf32> to vector<2000x128xf32>
    %add3A = arith.addf %get3A_3, %get3A_8 : vector<2000x128xf32>
    %get3A_9 = arith.constant 0 : index
    %get3A_10 = arith.constant 0 : index
    %get3A_11 = vector.load %arg3[%get3A_9, %get3A_10] : memref<2000x128xf32, #tpu.memory_space<vmem>>, vector<2000x128xf32>
    %add3A_12 = arith.addf %add3A, %get3A_11 : vector<2000x128xf32>
    %get3A_13 = arith.constant 0 : index
    %get3A_14 = arith.constant 0 : index
    %get3A_15 = vector.load %arg4[%get3A_13, %get3A_14] : memref<2000x1xf32, #tpu.memory_space<vmem>>, vector<2000x1xf32>
    %mul3A = vector.broadcast %get3A_15 : vector<2000x1xf32> to vector<2000x128xf32>
    %mul3A_16 = arith.mulf %add3A_12, %mul3A : vector<2000x128xf32>
    %get3A_17 = arith.constant 0 : index
    %get3A_18 = vector.load %arg5[%get3A_17] : memref<128xf32, #tpu.memory_space<vmem>>, vector<128xf32>
    %broadcast_in_dim3A = vector.shape_cast %get3A_18 : vector<128xf32> to vector<1x128xf32>
    %add3A_19 = vector.broadcast %broadcast_in_dim3A : vector<1x128xf32> to vector<2000x128xf32>
    %add3A_20 = arith.addf %mul3A_16, %add3A_19 : vector<2000x128xf32>
    %max3A = arith.constant 0.000000e+00 : f32
    %max3A_21 = vector.broadcast %max3A : f32 to vector<2000x128xf32>
    %max3A_22 = arith.maximumf %add3A_20, %max3A_21 : vector<2000x128xf32>
    %get3A_23 = arith.constant 0 : index
    %get3A_24 = arith.constant 0 : index
    %get3A_25 = vector.load %arg6[%get3A_23, %get3A_24] : memref<128x128xf32, #tpu.memory_space<vmem>>, vector<128x128xf32>
    %dot_general3A = arith.constant dense<0.000000e+00> : vector<2000x128xf32>
    %dot_general3A_26 = tpu.matmul %max3A_22, %get3A_25, %dot_general3A {dimension_numbers = #tpu.dot_dimension_numbers<[1], [0], [0], [1], [0, 0, 1, 1], [], []>, transpose_lhs_hint = false} : vector<2000x128xf32>, vector<128x128xf32>, vector<2000x128xf32> -> vector<2000x128xf32>
    %get3A_27 = arith.constant 0 : index
    %get3A_28 = arith.constant 0 : index
    %get3A_29 = vector.load %arg4[%get3A_27, %get3A_28] : memref<2000x1xf32, #tpu.memory_space<vmem>>, vector<2000x1xf32>
    %mul3A_30 = vector.broadcast %get3A_29 : vector<2000x1xf32> to vector<2000x128xf32>
    %mul3A_31 = arith.mulf %dot_general3A_26, %mul3A_30 : vector<2000x128xf32>
    %swap3A = arith.constant 0 : index
    %swap3A_32 = arith.constant 0 : index
    %swap3A_33 = vector.load %arg7[%swap3A, %swap3A_32] : memref<2000x128xf32, #tpu.memory_space<vmem>>, vector<2000x128xf32>
    tpu.vector_store %arg7[%swap3A, %swap3A_32], %mul3A_31 {strides = array<i32>} : memref<2000x128xf32, #tpu.memory_space<vmem>>, vector<2000x128xf32>,
    return
  }
  func.func @transform_0(%arg0: i32) -> (i32, i32, i32) {
    %c0_i32 = arith.constant 0 : i32
    %c0_i32_0 = arith.constant 0 : i32
    %c0_i32_1 = arith.constant 0 : i32
    return %c0_i32, %arg0, %c0_i32_0 : i32, i32, i32
  }
  func.func @transform_1(%arg0: i32) -> (i32, i32, i32) {
    %c1_i32 = arith.constant 1 : i32
    %c0_i32 = arith.constant 0 : i32
    %c0_i32_0 = arith.constant 0 : i32
    return %c1_i32, %arg0, %c0_i32 : i32, i32, i32
  }
  func.func @transform_2(%arg0: i32) -> (i32, i32) {
    %c0_i32 = arith.constant 0 : i32
    %c0_i32_0 = arith.constant 0 : i32
    return %arg0, %c0_i32 : i32, i32
  }
  func.func @transform_3(%arg0: i32) -> (i32, i32) {
    %c0_i32 = arith.constant 0 : i32
    %c0_i32_0 = arith.constant 0 : i32
    return %arg0, %c0_i32 : i32, i32
  }
  func.func @transform_4(%arg0: i32) -> i32 {
    %c0_i32 = arith.constant 0 : i32
    %c0_i32_0 = arith.constant 0 : i32
    return %c0_i32 : i32
  }
  func.func @transform_5(%arg0: i32) -> (i32, i32) {
    %c0_i32 = arith.constant 0 : i32
    %c0_i32_0 = arith.constant 0 : i32
    %c0_i32_1 = arith.constant 0 : i32
    return %c0_i32, %c0_i32_0 : i32, i32
  }
  func.func @transform_6(%arg0: i32) -> (i32, i32) {
    %c0_i32 = arith.constant 0 : i32
    %c0_i32_0 = arith.constant 0 : i32
    return %arg0, %c0_i32 : i32, i32
  }
}

module attributes {stable_mosaic.version = 14 : i64} {
  func.func @body(%arg0: i32, %arg1: memref<1x2000x128xf32, #tpu.memory_space<vmem>>, %arg2: memref<1x2000x128xf32, #tpu.memory_space<vmem>>, %arg3: memref<2000x128xf32, #tpu.memory_space<vmem>>, %arg4: memref<2000x1xf32, #tpu.memory_space<vmem>>, %arg5: memref<128xf32, #tpu.memory_space<vmem>>, %arg6: memref<2000x128xf32, #tpu.memory_space<vmem>>) attributes {dimension_semantics = [#tpu.dimension_semantics<arbitrary>], iteration_bounds = array<i64: 5>, scalar_prefetch = 0 : i64, scratch_operands = 0 : i64, tpu.core_type = #tpu.core_type<tc>, window_params = [{transform_indices = @transform_0, window_bounds = array<i64: 1, 2000, 128>}, {transform_indices = @transform_1, window_bounds = array<i64: 1, 2000, 128>}, {transform_indices = @transform_2, window_bounds = array<i64: 2000, 128>}, {transform_indices = @transform_3, window_bounds = array<i64: 2000, 1>}, {pipeline_mode = #tpu.pipeline_mode<synchronous>, transform_indices = @transform_4, window_bounds = array<i64: 128>}, {transform_indices = @transform_5, window_bounds = array<i64: 2000, 128>}]} {
    %get3A = arith.constant 0 : index
    %get3A_0 = arith.constant 0 : index
    %get3A_1 = arith.constant 0 : index
    %get3A_2 = vector.load %arg1[%get3A, %get3A_0, %get3A_1] : memref<1x2000x128xf32, #tpu.memory_space<vmem>>, vector<1x2000x128xf32>
    %get3A_3 = vector.shape_cast %get3A_2 : vector<1x2000x128xf32> to vector<2000x128xf32>
    %get3A_4 = arith.constant 0 : index
    %get3A_5 = arith.constant 0 : index
    %get3A_6 = arith.constant 0 : index
    %get3A_7 = vector.load %arg2[%get3A_4, %get3A_5, %get3A_6] : memref<1x2000x128xf32, #tpu.memory_space<vmem>>, vector<1x2000x128xf32>
    %get3A_8 = vector.shape_cast %get3A_7 : vector<1x2000x128xf32> to vector<2000x128xf32>
    %add3A = arith.addf %get3A_3, %get3A_8 : vector<2000x128xf32>
    %get3A_9 = arith.constant 0 : index
    %get3A_10 = arith.constant 0 : index
    %get3A_11 = vector.load %arg3[%get3A_9, %get3A_10] : memref<2000x128xf32, #tpu.memory_space<vmem>>, vector<2000x128xf32>
    %add3A_12 = arith.addf %add3A, %get3A_11 : vector<2000x128xf32>
    %get3A_13 = arith.constant 0 : index
    %get3A_14 = arith.constant 0 : index
    %get3A_15 = vector.load %arg4[%get3A_13, %get3A_14] : memref<2000x1xf32, #tpu.memory_space<vmem>>, vector<2000x1xf32>
    %mul3A = vector.broadcast %get3A_15 : vector<2000x1xf32> to vector<2000x128xf32>
    %mul3A_16 = arith.mulf %add3A_12, %mul3A : vector<2000x128xf32>
    %get3A_17 = arith.constant 0 : index
    %get3A_18 = vector.load %arg5[%get3A_17] : memref<128xf32, #tpu.memory_space<vmem>>, vector<128xf32>
    %broadcast_in_dim3A = vector.shape_cast %get3A_18 : vector<128xf32> to vector<1x128xf32>
    %add3A_19 = vector.broadcast %broadcast_in_dim3A : vector<1x128xf32> to vector<2000x128xf32>
    %add3A_20 = arith.addf %mul3A_16, %add3A_19 : vector<2000x128xf32>
    %swap3A = arith.constant 0 : index
    %swap3A_21 = arith.constant 0 : index
    %swap3A_22 = vector.load %arg6[%swap3A, %swap3A_21] : memref<2000x128xf32, #tpu.memory_space<vmem>>, vector<2000x128xf32>
    tpu.vector_store %arg6[%swap3A, %swap3A_21], %add3A_20 {strides = array<i32>} : memref<2000x128xf32, #tpu.memory_space<vmem>>, vector<2000x128xf32>,
    return
  }
  func.func @transform_0(%arg0: i32) -> (i32, i32, i32) {
    %c0_i32 = arith.constant 0 : i32
    %c0_i32_0 = arith.constant 0 : i32
    %c0_i32_1 = arith.constant 0 : i32
    return %c0_i32, %arg0, %c0_i32_0 : i32, i32, i32
  }
  func.func @transform_1(%arg0: i32) -> (i32, i32, i32) {
    %c1_i32 = arith.constant 1 : i32
    %c0_i32 = arith.constant 0 : i32
    %c0_i32_0 = arith.constant 0 : i32
    return %c1_i32, %arg0, %c0_i32 : i32, i32, i32
  }
  func.func @transform_2(%arg0: i32) -> (i32, i32) {
    %c0_i32 = arith.constant 0 : i32
    %c0_i32_0 = arith.constant 0 : i32
    return %arg0, %c0_i32 : i32, i32
  }
  func.func @transform_3(%arg0: i32) -> (i32, i32) {
    %c0_i32 = arith.constant 0 : i32
    %c0_i32_0 = arith.constant 0 : i32
    return %arg0, %c0_i32 : i32, i32
  }
  func.func @transform_4(%arg0: i32) -> i32 {
    %c0_i32 = arith.constant 0 : i32
    %c0_i32_0 = arith.constant 0 : i32
    return %c0_i32 : i32
  }
  func.func @transform_5(%arg0: i32) -> (i32, i32) {
    %c0_i32 = arith.constant 0 : i32
    %c0_i32_0 = arith.constant 0 : i32
    return %arg0, %c0_i32 : i32, i32
  }
}

</mosaic_0001>

<sc_bundles>
// kernel: kernel.12.cloned.1.call-start
scs
__scs_entry_jumppad:
0x0: {  	(pc) =	sbr.rel $0x88, $3  }
0x1: {  	(tag) =	ssettag $0x0;
	lr =	simm.s32 $0x1  }
0x2: {  	[smem:$0x3F99] =	sst lr;
	_ =	strace $0xD0000000  }
0x3: {  	_ = 	snop  }
0x4: {  	_ = 	snop  }
0x5: {  	_ = 	snop  }
0x6: {  	_ = 	snop  }
0x7: {  	_ = 	snop  }
__scs_overlays_trampoline_lowered:
0x8: {  	[smem:$0x3FA8] =	sst s0  }
0x9: {  	[smem:$0x3FA9] =	sst s1  }
0xa: {  	[smem:$0x3FAA] =	sst s2  }
0xb: {  	[smem:$0x3FAB] =	sst s3  }
0xc: {  	[smem:$0x3FAC] =	sst s4  }
0xd: {  	[smem:$0x3FAD] =	sst s5  }
0xe: {  	[smem:$0x3FAE] =	sst s6  }
0xf: {  	[smem:$0x3FAF] =	sst s7  }
0x10: {  	[smem:$0x3FB0] =	sst s8  }
0x11: {  	[smem:$0x3FB1] =	sst s9;
	s0 =	simm.s32 @!p0 $0x0  }
0x12: {  	s1 =	sld [smem:$0x3F97];
	s0 =	simm.s32 @p0 $0x1  }
0x13: {  	[smem:$0x3FB2] =	sst s0;
	s0 =	simm.s32 @!p1 $0x0  }
0x14: {  	s2 =	sld [smem:$0x3F96];
	s0 =	simm.s32 @p1 $0x1  }
0x15: {  	[smem:$0x3FB3] =	sst s0;
	s0 =	simm.s32 @!p2 $0x0  }
0x16: {  	s3 =	sld [smem:$0x3FDB];
	s0 =	simm.s32 @p2 $0x1  }
0x17: {  	s4 =	simm.s32 $0x1BF5;
	[smem:$0x3FB5] =	sst s0  }
0x18: {  	s0 =	sld [smem:$0x3F98];
	_ =	swait.ge [sflag:s4], $0x0  }
0x19: {  	s7 =	sld [smem:$0x3F99]  }
0x1a: {  	s8 =	sadd.s32 $0xFFFFE003, lr  }
0x1b: {  	s9 =	sadd.s32 $0xFFFFFEF7, lr;
	s5 =	simm.s32 $0xFFFFFFFF;
	p2 =	slt.u32 s8, $0xFFFFF086  }
0x1c: {  	p1 =	slt.u32 s9, $0xF7A;
	s5 =	simm.s32 @!p2 $0x0  }
0x1d: {  	s5 =	simm.s32 @p1 $0x1;
	p0 =	seq.s32 s7, s2  }
0x1e: {  	s7 =	smul.u32 @!p0 $0xF7A, s2;
	p2 =	seq.s32 @!p0 s5, $0x0  }
0x1f: {  	s9 =	smul.u32 $0xF7A, s1;
	s8 =	simm.s32 @!p0 $0x1BF5;
	p2 =	por !p2, p0  }
0x20: {  	[sflag:s8] =	ssyncset.s32 @!p0 $0xFFFFF086;
	s6 =	sadd.s32 @!p0 s3, s7;
	s7 =	simm.s32 @!p0 $0x108  }
0x21: {  	s3 =	sadd.s32 s3, s9;
	s6 =	sadd.s32 @!p0 $0x88, s6;
	s7 =	simm.s32 @p2 $0x1082  }
0x22: {  	[simem:s7], [sflag:s8] =	dma.local @!p0 [hbm:s6], $0xF7A  }
0x23: {  	s9 =	sor.u32 $0xD0000000, s2;
	s6 =	simm.s32 $0x108;
	_ =	swait.ge @!p0 [sflag:s8], $0x0  }
0x24: {  	s3 =	sadd.s32 $0x88, s3;
	s6 =	simm.s32 @!p1 $0x1082;
	[sflag:s4] =	ssyncset.s32 $0xFFFFF086  }
0x25: {  	[simem:s6], [sflag:s4] =	dma.local [hbm:s3], $0xF7A  }
0x26: {  	[smem:$0x3F99] =	sst s1;
	(tag) =	ssettag s2;
	_ =	strace s9  }
0x27: {  	s1 =	sld [smem:$0x3FA9]  }
0x28: {  	s2 =	sld [smem:$0x3FAA]  }
0x29: {  	s4 =	sld [smem:$0x3FAC]  }
0x2a: {  	p0 =	seq.s32 s5, $0x0;
	s5 =	sld [smem:$0x3FAD]  }
0x2b: {  	s6 =	sld [smem:$0x3FAE]  }
0x2c: {  	s7 =	sld [smem:$0x3FAF]  }
0x2d: {  	s3 =	simm.s32 $0x108;
	s8 =	sld [smem:$0x3FB0]  }
0x2e: {  	s3 =	simm.s32 @!p0 $0x1082;
	s9 =	sld [smem:$0x3FB1]  }
0x2f: {  	lr =	sadd.s32 s0, s3;
	s0 =	sld [smem:$0x3FA8]  }
0x30: {  	s3 =	sld [smem:$0x3FAB]  }
0x31: {  	[smem:$0x3FB4] =	sst s10  }
0x32: {  	s10 =	sld [smem:$0x3FB2];
	_ =	sdelay $0x3  }
0x33: {  	p0 =	seq.s32 s10, $0x1;
	s10 =	sld [smem:$0x3FB4];
	_ =	sdelay $0x3  }
0x34: {  	[smem:$0x3FB4] =	sst s10  }
0x35: {  	s10 =	sld [smem:$0x3FB3];
	_ =	sdelay $0x3  }
0x36: {  	p1 =	seq.s32 s10, $0x1;
	s10 =	sld [smem:$0x3FB4];
	_ =	sdelay $0x3  }
0x37: {  	[smem:$0x3FB4] =	sst s10  }
0x38: {  	s10 =	sld [smem:$0x3FB5]  }
0x39: {  	_ = 	snop;
	(pc) =	sbr.ind lr, $3  }
0x3a: {  	_ = 	snop  }
0x3b: {  	_ = 	snop  }
0x3c: {  	p2 =	seq.s32 s10, $0x1;
	s10 =	sld [smem:$0x3FB4]  }
0x3d: {  	_ =	shalt  }
0x3e: {  	_ =	shalt  }
0x3f: {  	_ =	shalt  }
0x40: {  	_ =	shalt  }
0x41: {  	_ =	shalt  }
0x42: {  	_ =	shalt  }
0x43: {  	_ =	shalt  }
0x44: {  	_ =	shalt  }
0x45: {  	_ =	shalt  }
0x46: {  	_ =	shalt  }
0x47: {  	_ =	shalt  }
0x48: {  	_ =	shalt  }
0x49: {  	_ =	shalt  }
0x4a: {  	_ =	shalt  }
0x4b: {  	_ =	shalt  }
0x4c: {  	_ =	shalt  }
0x4d: {  	_ =	shalt  }
0x4e: {  	_ =	shalt  }
0x4f: {  	_ =	shalt  }
0x50: {  	_ =	shalt  }
0x51: {  	_ =	shalt  }
0x52: {  	_ =	shalt  }
0x53: {  	_ =	shalt  }
0x54: {  	_ =	shalt  }
0x55: {  	_ =	shalt  }
0x56: {  	_ =	shalt  }
0x57: {  	_ =	shalt  }
0x58: {  	_ =	shalt  }
0x59: {  	_ =	shalt  }
0x5a: {  	_ =	shalt  }
0x5b: {  	_ =	shalt  }
0x5c: {  	_ =	shalt  }
0x5d: {  	_ =	shalt  }
0x5e: {  	_ =	shalt  }
0x5f: {  	_ =	shalt  }
0x60: {  	_ =	shalt  }
0x61: {  	_ =	shalt  }
0x62: {  	_ =	shalt  }
0x63: {  	_ =	shalt  }
0x64: {  	_ =	shalt  }
0x65: {  	_ =	shalt  }
0x66: {  	_ =	shalt  }
0x67: {  	_ =	shalt  }
0x68: {  	_ =	shalt  }
0x69: {  	_ =	shalt  }
0x6a: {  	_ =	shalt  }
0x6b: {  	_ =	shalt  }
0x6c: {  	_ =	shalt  }
0x6d: {  	_ =	shalt  }
0x6e: {  	_ =	shalt  }
0x6f: {  	_ =	shalt  }
0x70: {  	_ =	shalt  }
0x71: {  	_ =	shalt  }
0x72: {  	_ =	shalt  }
0x73: {  	_ =	shalt  }
0x74: {  	_ =	shalt  }
0x75: {  	_ =	shalt  }
0x76: {  	_ =	shalt  }
0x77: {  	_ =	shalt  }
0x78: {  	_ =	shalt  }
0x79: {  	_ =	shalt  }
0x7a: {  	_ =	shalt  }
0x7b: {  	_ =	shalt  }
0x7c: {  	_ =	shalt  }
0x7d: {  	_ =	shalt  }
0x7e: {  	_ =	shalt  }
0x7f: {  	_ =	shalt  }
0x80: {  	_ =	shalt  }
0x81: {  	_ =	shalt  }
0x82: {  	_ =	shalt  }
0x83: {  	_ =	shalt  }
0x84: {  	_ =	shalt  }
0x85: {  	_ =	shalt  }
0x86: {  	_ =	shalt  }
0x87: {  	_ =	shalt  }
.Lfunc_end0:
.L_simem_size_0:
called_computation.1_lowered:
.L_overlay_start_0:
0x88: {  	s2 =	sld [smem:$0x3FD9]  }
0x89: {  	s3 =	sld [smem:$0x3FFE];
	_ =	sdelay $0x1  }
0x8a: {  	s1 =	srdreg.scid  }
0x8b: {  	s0 =	sand.u32 $0x1, s1  }
0x8c: {  	s14 =	sshll.u32 s0, $0xA;
	s2 =	sadd.s32 s3, s2  }
0x8d: {  	s2 =	sadd.s32 s2, s14  }
0x8e: {  	[smem:$0x3FC0] =	sst s2  }
0x8f: {  	_ = 	snop  }
0x90: {  	s2 =	sld [smem:$0x3FD0];
	_ =	sdelay $0x2  }
0x91: {  	s15 =	simm.s32 $0xA;
	s4 =	simm.s32 $0x10  }
0x92: {  	[smem:s4], [sflag:s15] =	dma.local [hbm:s2], $0x1  }
0x93: {  	_ =	swait.eq [sflag:s15], $0x1  }
0x94: {  	[sflag:s15] =	ssyncset.done $0x0  }
0x95: {  	s16 =	sld [smem:$0x10];
	[sflag:s15] =	ssyncadd.s32 $0xFFFFFFFF  }
0x96: {  	s17 =	sld [smem:$0x11];
	(tm) =	ssettm $0x1  }
0x97: {  	s18 =	sld [smem:$0x3FFB];
	_ =	sdelay $0x3  }
0x98: {  	_ =	strace s18  }
0x99: {  	s4 =	sld [smem:$0x3FFC];
	_ =	sdelay $0x3  }
0x9a: {  	_ =	strace s4  }
0x9b: {  	s4 =	sld [smem:$0x3FFD];
	_ =	sdelay $0x3  }
0x9c: {  	_ =	strace s4  }
0x9d: {  	_ =	strace $0x8FFFFFFF  }
0x9e: {  	s19 =	sld [smem:$0x3FDB];
	_ =	sdelay $0x1  }
0x9f: {  	s5 =	simm.s32 $_scs_section_size  }
0xa0: {  	s6 =	simm.s32 $_size__tile_overlayer_lowered;
	s7 =	simm.s32 $_tile_overlayer_lowered  }
0xa1: {  	s22 =	simm.s32 $0x1BFF;
	s21 =	sshll.u32 s7, $0x1;
	s4 =	sadd.s32 s5, s19  }
0xa2: {  	s8 =	simm.s32 $0x0;
	s20 =	sshll.u32 s6, $0x1;
	s6 =	sadd.s32 s21, s4  }
0xa3: {  	[timem:s8], [sflag:s22] =	dma.local [hbm:s6], s20  }
0xa4: {  	_ =	swait.ge [sflag:s22], s20  }
0xa5: {  	s5 =	ssub.s32 $0x0, s20;
	[sflag:s22] =	ssyncset.done $0x0  }
0xa6: {  	[sflag:s22] =	ssyncadd.s32 s5;
	_ =	sdelay $0x1  }
0xa7: {  	s23 =	simm.s32 $0x1B8B  }
0xa8: {  	_ =	swait.ge [sflag:s23], $0x1  }
0xa9: {  	[sflag:s23] =	ssyncset.done $0x0  }
0xaa: {  	s25 =	simm.s32 $0x1B8E;
	s24 =	sld [smem:$0x3FFE];
	[sflag:s23] =	ssyncadd.s32 $0xFFFFFFFF  }
0xab: {  	s26 =	simm.s32 $execute0_lowered;
	[smem:$0x3FD2] =	sst s25  }
0xac: {  	s6 =	sshll.u32 s26, $0x1;
	_ =	strace $0x80000049;
	[dreg:$0x1] =	wrdreg $0xFFFFFFFF  }
0xad: {  	s28 =	simm.s32 $_size_execute0_lowered;
	s4 =	sadd.s32 s4, s6;
	[dreg:$0x0] =	wrdreg $0x0  }
0xae: {  	s6 =	sshll.u32 s28, $0x1;
	[dreg:$0x2] =	wrdreg s4  }
0xaf: {  	[dreg:$0x3] =	wrdreg s6  }
0xb0: {  	[dreg:$0x4] =	wrdreg $0xC0  }
0xb1: {  	_ =	task [dreg:s8], $0x5FFFF  }
0xb2: {  	[dreg:$0x1] =	wrdreg $0xFFFFFFFF  }
0xb3: {  	[dreg:$0x0] =	wrdreg $0x60  }
0xb4: {  	[dreg:$0x2] =	wrdreg s24  }
0xb5: {  	[dreg:$0x3] =	wrdreg s17  }
0xb6: {  	[dreg:$0x4] =	wrdreg s16  }
0xb7: {  	[dreg:$0x5] =	wrdreg $0x82000  }
0xb8: {  	[dreg:$0x6] =	wrdreg $0x9  }
0xb9: {  	_ =	task.clear_ibuf [dreg:s8], $0x7FFFF;
	_ =	strace $0x90000049  }
0xba: {  	s29 =	simm.s32 $0x9;
	_ =	strace $0x8000004B  }
0xbb: {  	_ =	swait.ge [sflag:s29], $0x1  }
0xbc: {  	[sflag:s29] =	ssyncadd.s32 $0xFFFFFFFF  }
0xbd: {  	_ =	strace $0x9000004B  }
0xbe: {  	_ =	sfence  }
0xbf: {  	s30 =	sld [smem:$0x0];
	_ =	sdelay $0x2  }
0xc0: {  	s31 =	sshll.u32 s1, $0xD;
	s1 =	sshrl.u32 s1, $0x2  }
0xc1: {  	s3 =	sand.u32 $0x4000, s31;
	s1 =	sadd.s32 s1, s30  }
0xc2: {  	s0 =	sor.u32 s3, s0;
	s1 =	sshll.u32 s1, $0x11  }
0xc3: {  	s0 =	sor.u32 s1, s0  }
0xc4: {  	s0 =	sadd.s32 $0x8F2B, s0  }
0xc5: {  	[sflag:s0] =	ssyncadd.remote.s32 $0x1  }
0xc6: {  	_ =	sfence.sel $0xFFFF  }
0xc7: {  	[dreg:$0x0] =	wrdreg $0xFFFFFFFF;
	(pc) =	sbr.abs _section_cstart, $3  }
0xc8: {  	[dreg:$0x1] =	wrdreg $0xFFFFFFFF  }
0xc9: {  	_ =	task.clear_ibuf [dreg:s8], $0x2FFFF;
	_ =	strace $0x9FFFFFFF  }
0xca: {  	(tm) =	ssettm $0x7FFFFFFF  }
0xcb: {  	_ =	shalt  }
tec
execute0_lowered:
.L_overlay_start_1:
0x0: {  	(tag) =	ssettag $0x1  }
0x1: {  	s0 =	rddreg [dreg:$0x0]  }
0x2: {  	s1 =	rddreg [dreg:$0x1]  }
0x3: {  	s6 =	rddreg [dreg:$0x2]  }
0x4: {  	s2 =	rddreg [dreg:$0x3]  }
0x5: {  	s3 =	simm.s32 $0x0;
	s14 =	stileid.u32;
	s4 =	srdreg.scid  }
0x6: {  	s17 =	simm.s32 $0x80;
	s18 =	simm.s32 $0x200;
	s19 =	simm.s32 $0x1  }
0x7: {  	[smem:$0x7FF] =	sst s3;
	s24 =	smul.u32 $0x2800, s14;
	s11 =	sand.u32 $0x1, s4  }
0x8: {  	s4 =	simm.s32 $0x68;
	s5 =	sadd.s32 $0x2600, s0;
	s10 =	smul.u32 $0x50000, s14  }
0x9: {  	s23 =	sshll.u32 s14, $0x6;
	s7 =	smul.u32 $0x28000, s11;
	p0 =	seq.s32 s11, $0x0  }
0xa: {  	s8 =	smul.u32 $0x680, s11;
	_ =	strace $0x8000004A;
	s9 =	ssub.s32 $0x2, s11  }
0xb: {  	s30 =	smul.u32 $0x6800, s11;
	s4 =	simm.s32 @!p0 $0x36;
	s13 =	sadd.s32 s24, s0  }
0xc: {  	s20 =	sshrl.u32 s9, $0x1;
	s21 =	sshrl.u32 s10, $0x2;
	s12 =	smul.u32 s14, s4  }
0xd: {  	s0 =	sadd.s32 s7, s0;
	s9 =	ssub.s32 s9, s20;
	s15 =	sadd.s32 s21, s2  }
0xe: {  	s22 =	sadd.s32 $0x29800, s13;
	s7 =	sor.u32 $0x1C04, s23;
	s20 =	simm.s32 $0x100  }
0xf: {  	s21 =	simm.s32 $0x180;
	s23 =	simm.s32 $0x2;
	[dreg:$0x5] =	wrdreg s22  }
0x10: {  	s0 =	sadd.s32 $0x51800, s0;
	s26 =	smax.u32 s9, $0x1;
	s15 =	sshrl.u32 s15, $0x3  }
0x11: {  	s22 =	simm.s32 $0x4200;
	s8 =	sadd.s32 s8, s12;
	[dreg:$0x6] =	wrdreg s26  }
0x12: {  	s12 =	sshll.u32 s12, $0x4;
	s24 =	sadd.s32 s24, s0;
	s25 =	sshll.u32 s8, $0x4  }
0x13: {  	s26 =	simm.s32 $0x0;
	s16 =	sadd.s32 s12, s6;
	s28 =	sadd.s32 s1, s25  }
0x14: {  	s29 =	sadd.s32 s6, s25;
	s13 =	sor.u32 $0x10, s25;
	s14 =	sadd.s32 s30, s16  }
0x15: {  	s16 =	simm.s32 $0x4;
	s25 =	simm.s32 $0x3;
	[dreg:$0x7] =	wrdreg s28  }
0x16: {  	[dreg:$0x8] =	wrdreg s29;
	s31 =	sadd.s32 s1, s13;
	s1 =	sadd.s32 s12, s1  }
0x17: {  	s12 =	sadd.s32 s6, s13;
	[dreg:$0x9] =	wrdreg s31;
	s13 =	sadd.s32 s30, s1  }
.LBB2_1:
0x18: {  	s0 =	rddreg [dreg:$0x5]  }
0x19: {  	[spmem:s15], [sflag:s7] =	dma.local [hbm:s0], $0x2800  }
0x1a: {  	_ =	swait.ge [sflag:s16], $0x2800  }
0x1b: {  	[sflag:s16] =	ssyncset.done $0x0  }
0x1c: {  	[sflag:s16] =	ssyncadd.s32 $0xFFFFD800  }
0x1d: {  	[bflag:$0x0] =	sbarrier.arrive $0xFFFF  }
0x1e: {  	s9 =	rddreg [dreg:$0x7]  }
0x1f: {  	[tilespmem:s3], [sflag:$0x4] =	stream.linear.gather [hbm4b:s9+s3], $0x80, $0x38;
	[tilespmem:$0x1C200] =	vst v63  }
0x20: {  	_ =	swait.ge [sflag:s16], $0x80  }
0x21: {  	[sflag:s16] =	ssyncset.done $0x0  }
0x22: {  	s10 =	rddreg [dreg:$0x8];
	[sflag:s16] =	ssyncadd.s32 $0xFFFFFF80  }
0x23: {  	[tilespmem:s17], [sflag:$0x4] =	stream.linear.gather [hbm4b:s10+s3], $0x80, $0x38;
	[tilespmem:$0x1C200] =	vst v63  }
0x24: {  	_ =	swait.ge [sflag:s16], $0x80  }
0x25: {  	[sflag:s16] =	ssyncset.done $0x0  }
0x26: {  	[sflag:s16] =	ssyncadd.s32 $0xFFFFFF80  }
0x27: {  	[tilespmem:s18], [sflag:$0x1] =	stream.indirect.gather [hbm4b:s5+s17], $0x80, s3, s17, $0xb8;
	[tilespmem:$0x1C200] =	vst v63  }
0x28: {  	_ =	swait.ge [sflag:s19], $0x4000  }
0x29: {  	[sflag:s19] =	ssyncset.done $0x0  }
0x2a: {  	[sflag:s19] =	ssyncadd.s32 $0xFFFFC000  }
0x2b: {  	[spmem:s2] =	stream.indirect.scatter.add.f32 [tilespmem:s18], [sflag:$0x2], $0x80, s17, s17, $0xb8;
	[tilespmem:$0x1C200] =	vst v63  }
0x2c: {  	s11 =	rddreg [dreg:$0x9]  }
0x2d: {  	[tilespmem:s20], [sflag:$0x4] =	stream.linear.gather [hbm4b:s11+s3], $0x80, $0x38;
	[tilespmem:$0x1C200] =	vst v63  }
0x2e: {  	_ =	swait.ge [sflag:s16], $0x80  }
0x2f: {  	[sflag:s16] =	ssyncset.done $0x0  }
0x30: {  	[sflag:s16] =	ssyncadd.s32 $0xFFFFFF80  }
0x31: {  	[tilespmem:s21], [sflag:$0x4] =	stream.linear.gather [hbm4b:s12+s3], $0x80, $0x38;
	[tilespmem:$0x1C200] =	vst v63  }
0x32: {  	_ =	swait.ge [sflag:s16], $0x80  }
0x33: {  	[sflag:s16] =	ssyncset.done $0x0  }
0x34: {  	[sflag:s16] =	ssyncadd.s32 $0xFFFFFF80  }
0x35: {  	[tilespmem:s22], [sflag:$0x1] =	stream.indirect.gather [hbm4b:s5+s17], $0x80, s20, s17, $0xb8;
	[tilespmem:$0x1C200] =	vst v63  }
0x36: {  	_ =	swait.ge [sflag:s19], $0x4000  }
0x37: {  	p0 =	sle.u32 s4, $0x2;
	[sflag:s19] =	ssyncset.done $0x0  }
0x38: {  	s0 =	simm.s32 @!p0 $0x2;
	[sflag:s19] =	ssyncadd.s32 $0xFFFFC000  }
0x39: {  	[spmem:s2] =	stream.indirect.scatter.add.f32 [tilespmem:s22], [sflag:$0x3], $0x80, s21, s17, $0xb8;
	[tilespmem:$0x1C200] =	vst v63  }
0x3a: {  	_ =	swait.ge @!p0 [sflag:s0], $0x4000;
	p0 =	por p0, p0  }
0x3b: {  	[sflag:s0] =	ssyncset.done @!p0 $0x0;
	s1 =	sadd.s32 @!p0 $0x0, s13;
	s28 =	simm.s32 @!p0 $0x4  }
0x3c: {  	s30 =	simm.s32 @!p0 $0x0;
	[sflag:s0] =	ssyncadd.s32 @!p0 $0xFFFFC000;
	s0 =	sadd.s32 @!p0 $0x20, s1  }
0x3d: {  	[tilespmem:s30], [sflag:$0x4] =	stream.linear.gather @!p0 [hbm4b:s0+s30], $0x80, $0x38;
	[tilespmem:$0x1C200] =	vst v63  }
0x3e: {  	_ =	swait.ge @!p0 [sflag:s28], $0x80  }
0x3f: {  	s6 =	sadd.s32 @!p0 $0x0, s14;
	[sflag:s28] =	ssyncset.done @!p0 $0x0  }
0x40: {  	s29 =	simm.s32 @!p0 $0x80;
	s0 =	sadd.s32 @!p0 $0x20, s6;
	[sflag:s28] =	ssyncadd.s32 @!p0 $0xFFFFFF80  }
0x41: {  	[tilespmem:s29], [sflag:$0x4] =	stream.linear.gather @!p0 [hbm4b:s0+s30], $0x80, $0x38;
	[tilespmem:$0x1C200] =	vst v63  }
0x42: {  	_ =	swait.ge @!p0 [sflag:s28], $0x80  }
0x43: {  	[sflag:s28] =	ssyncset.done @!p0 $0x0  }
0x44: {  	s31 =	simm.s32 @!p0 $0x200;
	s0 =	simm.s32 @!p0 $0x1;
	[sflag:s28] =	ssyncadd.s32 @!p0 $0xFFFFFF80  }
0x45: {  	[tilespmem:s31], [sflag:$0x1] =	stream.indirect.gather @!p0 [hbm4b:s5+s29], $0x80, s30, s29, $0xb8;
	[tilespmem:$0x1C200] =	vst v63  }
0x46: {  	_ =	swait.ge @!p0 [sflag:s0], $0x4000  }
0x47: {  	[sflag:s0] =	ssyncset.done @!p0 $0x0  }
0x48: {  	[sflag:s0] =	ssyncadd.s32 @!p0 $0xFFFFC000  }
0x49: {  	[spmem:s2] =	stream.indirect.scatter.add.f32 @!p0 [tilespmem:s31], [sflag:$0x2], $0x80, s29, s29, $0xb8;
	[tilespmem:$0x1C200] =	vst v63  }
0x4a: {  	s31 =	simm.s32 @!p0 $0x3  }
0x4b: {  	_ =	swait.ge @!p0 [sflag:s31], $0x4000  }
0x4c: {  	[sflag:s31] =	ssyncset.done @!p0 $0x0  }
0x4d: {  	s1 =	sadd.s32 @!p0 $0x30, s1;
	[sflag:s31] =	ssyncadd.s32 @!p0 $0xFFFFC000;
	s31 =	simm.s32 @!p0 $0x100  }
0x4e: {  	[tilespmem:s31], [sflag:$0x4] =	stream.linear.gather @!p0 [hbm4b:s1+s30], $0x80, $0x38;
	[tilespmem:$0x1C200] =	vst v63  }
0x4f: {  	_ =	swait.ge @!p0 [sflag:s28], $0x80  }
0x50: {  	[sflag:s28] =	ssyncset.done @!p0 $0x0  }
0x51: {  	s1 =	sadd.s32 @!p0 $0x30, s6;
	s6 =	simm.s32 @!p0 $0x180;
	[sflag:s28] =	ssyncadd.s32 @!p0 $0xFFFFFF80  }
0x52: {  	[tilespmem:s6], [sflag:$0x4] =	stream.linear.gather @!p0 [hbm4b:s1+s30], $0x80, $0x38;
	[tilespmem:$0x1C200] =	vst v63  }
0x53: {  	_ =	swait.ge @!p0 [sflag:s28], $0x80  }
0x54: {  	[sflag:s28] =	ssyncset.done @!p0 $0x0  }
0x55: {  	s1 =	simm.s32 @!p0 $0x4200;
	[sflag:s28] =	ssyncadd.s32 @!p0 $0xFFFFFF80  }
0x56: {  	[tilespmem:s1], [sflag:$0x1] =	stream.indirect.gather @!p0 [hbm4b:s5+s29], $0x80, s31, s29, $0xb8;
	[tilespmem:$0x1C200] =	vst v63  }
0x57: {  	p2 =	sle.u32 s4, $0x4;
	s30 =	simm.s32 $0x40;
	_ =	swait.ge @!p0 [sflag:s0], $0x4000  }
0x58: {  	s28 =	simm.s32 $0x20;
	s31 =	simm.s32 $0x4;
	[sflag:s0] =	ssyncset.done @!p0 $0x0  }
.LBB2_2:
0x59: {  	s8 =	simm.s32 @!p2 $0x2  }
0x5a: {  	[sflag:s0] =	ssyncadd.s32 @!p0 $0xFFFFC000;
	s0 =	smov.u32 s30;
	s30 =	sadd.s32 $0x20, s30  }
0x5b: {  	[spmem:s2] =	stream.indirect.scatter.add.f32 @!p0 [tilespmem:s1], [sflag:$0x3], $0x80, s6, s29, $0xb8;
	[tilespmem:$0x1C200] =	vst v63  }
0x5c: {  	p1 =	sne.s32 s30, $0x9C0;
	p0 =	por p2, p2;
	_ =	swait.ge @!p2 [sflag:s8], $0x4000  }
0x5d: {  	s6 =	sadd.s32 @!p0 s28, s13;
	s1 =	simm.s32 @!p0 $0x4;
	[sflag:s8] =	ssyncset.done @!p0 $0x0  }
0x5e: {  	s9 =	simm.s32 @!p0 $0x0;
	[sflag:s8] =	ssyncadd.s32 @!p0 $0xFFFFC000;
	s8 =	sadd.s32 @!p0 $0x20, s6  }
0x5f: {  	[tilespmem:s9], [sflag:$0x4] =	stream.linear.gather @!p0 [hbm4b:s8+s9], $0x80, $0x38;
	[tilespmem:$0x1C200] =	vst v63  }
0x60: {  	s6 =	sadd.s32 @!p0 $0x30, s6;
	_ =	swait.ge @!p0 [sflag:s1], $0x80  }
0x61: {  	s8 =	sadd.s32 @!p0 s28, s14;
	s28 =	smov.u32 s0;
	[sflag:s1] =	ssyncset.done @!p0 $0x0  }
0x62: {  	s29 =	simm.s32 @!p0 $0x80;
	s0 =	sadd.s32 @!p0 $0x20, s8;
	[sflag:s1] =	ssyncadd.s32 @!p0 $0xFFFFFF80  }
0x63: {  	[tilespmem:s29], [sflag:$0x4] =	stream.linear.gather @!p0 [hbm4b:s0+s9], $0x80, $0x38;
	[tilespmem:$0x1C200] =	vst v63  }
0x64: {  	s8 =	sadd.s32 @!p0 $0x30, s8;
	_ =	swait.ge @!p0 [sflag:s1], $0x80  }
0x65: {  	[sflag:s1] =	ssyncset.done @!p0 $0x0  }
0x66: {  	s10 =	simm.s32 @!p0 $0x200;
	s0 =	simm.s32 @!p0 $0x1;
	[sflag:s1] =	ssyncadd.s32 @!p0 $0xFFFFFF80  }
0x67: {  	[tilespmem:s10], [sflag:$0x1] =	stream.indirect.gather @!p0 [hbm4b:s5+s29], $0x80, s9, s29, $0xb8;
	[tilespmem:$0x1C200] =	vst v63  }
0x68: {  	_ =	swait.ge @!p0 [sflag:s0], $0x4000  }
0x69: {  	[sflag:s0] =	ssyncset.done @!p0 $0x0  }
0x6a: {  	s11 =	simm.s32 @!p0 $0x3;
	[sflag:s0] =	ssyncadd.s32 @!p0 $0xFFFFC000  }
0x6b: {  	[spmem:s2] =	stream.indirect.scatter.add.f32 @!p0 [tilespmem:s10], [sflag:$0x2], $0x80, s29, s29, $0xb8;
	[tilespmem:$0x1C200] =	vst v63  }
0x6c: {  	_ =	swait.ge @!p0 [sflag:s11], $0x4000  }
0x6d: {  	[sflag:s11] =	ssyncset.done @!p0 $0x0  }
0x6e: {  	s10 =	simm.s32 @!p0 $0x100;
	[sflag:s11] =	ssyncadd.s32 @!p0 $0xFFFFC000  }
0x6f: {  	[tilespmem:s10], [sflag:$0x4] =	stream.linear.gather @!p0 [hbm4b:s6+s9], $0x80, $0x38;
	[tilespmem:$0x1C200] =	vst v63  }
0x70: {  	_ =	swait.ge @!p0 [sflag:s1], $0x80  }
0x71: {  	[sflag:s1] =	ssyncset.done @!p0 $0x0  }
0x72: {  	s6 =	simm.s32 @!p0 $0x180;
	[sflag:s1] =	ssyncadd.s32 @!p0 $0xFFFFFF80  }
0x73: {  	[tilespmem:s6], [sflag:$0x4] =	stream.linear.gather @!p0 [hbm4b:s8+s9], $0x80, $0x38;
	[tilespmem:$0x1C200] =	vst v63  }
0x74: {  	_ =	swait.ge @!p0 [sflag:s1], $0x80  }
.Ltmp0:
0x75: {  	[sflag:s1] =	ssyncset.done @!p0 $0x0;
	(pc) =	sbr.rel @p1 .LBB2_2-.Ltmp0, $4  }
0x76: {  	[sflag:s1] =	ssyncadd.s32 @!p0 $0xFFFFFF80;
	s1 =	simm.s32 @!p0 $0x4200  }
0x77: {  	[tilespmem:s1], [sflag:$0x1] =	stream.indirect.gather @!p0 [hbm4b:s5+s29], $0x80, s10, s29, $0xb8;
	[tilespmem:$0x1C200] =	vst v63  }
0x78: {  	s31 =	sadd.s32 $0x2, s31;
	_ =	swait.ge @!p0 [sflag:s0], $0x4000  }
0x79: {  	p2 =	sge.u32 s31, s4;
	[sflag:s0] =	ssyncset.done @!p0 $0x0  }
0x7a: {  	s8 =	simm.s32 @!p2 $0x2;
	[sflag:s0] =	ssyncadd.s32 @!p0 $0xFFFFC000  }
0x7b: {  	[spmem:s2] =	stream.indirect.scatter.add.f32 @!p0 [tilespmem:s1], [sflag:$0x3], $0x80, s6, s29, $0xb8;
	[tilespmem:$0x1C200] =	vst v63  }
0x7c: {  	p0 =	por p2, p2;
	_ =	swait.ge @!p2 [sflag:s8], $0x4000  }
0x7d: {  	s0 =	sadd.s32 @!p0 s28, s13;
	s1 =	simm.s32 @!p0 $0x4;
	[sflag:s8] =	ssyncset.done @!p0 $0x0  }
0x7e: {  	s6 =	sadd.s32 @!p0 $0x20, s0;
	[sflag:s8] =	ssyncadd.s32 @!p0 $0xFFFFC000;
	s8 =	simm.s32 @!p0 $0x0  }
0x7f: {  	[tilespmem:s8], [sflag:$0x4] =	stream.linear.gather @!p0 [hbm4b:s6+s8], $0x80, $0x38;
	[tilespmem:$0x1C200] =	vst v63  }
0x80: {  	_ =	swait.ge @!p0 [sflag:s1], $0x80  }
0x81: {  	s6 =	sadd.s32 @!p0 s28, s14;
	[sflag:s1] =	ssyncset.done @!p0 $0x0  }
0x82: {  	s10 =	simm.s32 @!p0 $0x80;
	s9 =	sadd.s32 @!p0 $0x20, s6;
	[sflag:s1] =	ssyncadd.s32 @!p0 $0xFFFFFF80  }
0x83: {  	[tilespmem:s10], [sflag:$0x4] =	stream.linear.gather @!p0 [hbm4b:s9+s8], $0x80, $0x38;
	[tilespmem:$0x1C200] =	vst v63  }
0x84: {  	_ =	swait.ge @!p0 [sflag:s1], $0x80  }
0x85: {  	[sflag:s1] =	ssyncset.done @!p0 $0x0  }
0x86: {  	s11 =	simm.s32 @!p0 $0x1;
	s9 =	simm.s32 @!p0 $0x200;
	[sflag:s1] =	ssyncadd.s32 @!p0 $0xFFFFFF80  }
0x87: {  	[tilespmem:s9], [sflag:$0x1] =	stream.indirect.gather @!p0 [hbm4b:s5+s10], $0x80, s8, s10, $0xb8;
	[tilespmem:$0x1C200] =	vst v63  }
0x88: {  	_ =	swait.ge @!p0 [sflag:s11], $0x4000  }
0x89: {  	[sflag:s11] =	ssyncset.done @!p0 $0x0  }
0x8a: {  	s28 =	simm.s32 @!p0 $0x3;
	[sflag:s11] =	ssyncadd.s32 @!p0 $0xFFFFC000  }
0x8b: {  	[spmem:s2] =	stream.indirect.scatter.add.f32 @!p0 [tilespmem:s9], [sflag:$0x2], $0x80, s10, s10, $0xb8;
	[tilespmem:$0x1C200] =	vst v63  }
0x8c: {  	_ =	swait.ge @!p0 [sflag:s28], $0x4000  }
0x8d: {  	[sflag:s28] =	ssyncset.done @!p0 $0x0  }
0x8e: {  	s0 =	sadd.s32 @!p0 $0x30, s0;
	s9 =	simm.s32 @!p0 $0x100;
	[sflag:s28] =	ssyncadd.s32 @!p0 $0xFFFFC000  }
0x8f: {  	[tilespmem:s9], [sflag:$0x4] =	stream.linear.gather @!p0 [hbm4b:s0+s8], $0x80, $0x38;
	[tilespmem:$0x1C200] =	vst v63  }
0x90: {  	_ =	swait.ge @!p0 [sflag:s1], $0x80  }
0x91: {  	[sflag:s1] =	ssyncset.done @!p0 $0x0  }
0x92: {  	s0 =	sadd.s32 @!p0 $0x30, s6;
	s6 =	simm.s32 @!p0 $0x180;
	[sflag:s1] =	ssyncadd.s32 @!p0 $0xFFFFFF80  }
0x93: {  	[tilespmem:s6], [sflag:$0x4] =	stream.linear.gather @!p0 [hbm4b:s0+s8], $0x80, $0x38;
	[tilespmem:$0x1C200] =	vst v63  }
0x94: {  	_ =	swait.ge @!p0 [sflag:s1], $0x80  }
0x95: {  	[sflag:s1] =	ssyncset.done @!p0 $0x0  }
0x96: {  	s0 =	simm.s32 @!p0 $0x4200;
	[sflag:s1] =	ssyncadd.s32 @!p0 $0xFFFFFF80  }
0x97: {  	[tilespmem:s0], [sflag:$0x1] =	stream.indirect.gather @!p0 [hbm4b:s5+s10], $0x80, s9, s10, $0xb8;
	[tilespmem:$0x1C200] =	vst v63  }
0x98: {  	_ =	swait.ge @!p0 [sflag:s11], $0x4000  }
0x99: {  	[sflag:s11] =	ssyncset.done @!p0 $0x0  }
0x9a: {  	[sflag:s11] =	ssyncadd.s32 @!p0 $0xFFFFC000  }
0x9b: {  	[spmem:s2] =	stream.indirect.scatter.add.f32 @!p0 [tilespmem:s0], [sflag:$0x3], $0x80, s6, s10, $0xb8;
	[tilespmem:$0x1C200] =	vst v63  }
0x9c: {  	_ =	swait.ge [sflag:s23], $0x4000  }
0x9d: {  	[sflag:s23] =	ssyncset.done $0x0  }
0x9e: {  	[sflag:s23] =	ssyncadd.s32 $0xFFFFC000  }
0x9f: {  	_ =	swait.ge [sflag:s25], $0x4000  }
0xa0: {  	[sflag:s25] =	ssyncset.done $0x0  }
0xa1: {  	[sflag:s25] =	ssyncadd.s32 $0xFFFFC000  }
0xa2: {  	[bflag:$0x0] =	sbarrier.arrive $0xFFFF  }
0xa3: {  	[hbm:s24], [sflag:s7] =	dma.local [spmem:s15], $0x2800  }
0xa4: {  	_ =	swait.ge [sflag:s16], $0x2800  }
0xa5: {  	s26 =	sadd.s32 $0x1, s26;
	s31 =	rddreg [dreg:$0x6]  }
0xa6: {  	p0 =	sne.s32 s26, s31  }
.Ltmp1:
0xa7: {  	_ = 	snop;
	(pc) =	sbr.rel @p0 .LBB2_1-.Ltmp1, $3  }
0xa8: {  	_ =	sdelay $0x1  }
0xa9: {  	[sflag:s16] =	ssyncset.done $0x0  }
0xaa: {  	[sflag:s16] =	ssyncadd.s32 $0xFFFFD800  }
0xab: {  	_ =	sfence.sel $0x180000  }
0xac: {  	[bflag:$0x0] =	sbarrier.arrive $0xFFFF  }
0xad: {  	_ =	strace $0x9000004A  }
0xae: {  	s0 =	stileid.u32;
	[bflag:$0x2] =	sbarrier.arrive $0xFFFF  }
0xaf: {  	p0 =	sne.s32 s0, $0x0;
	s0 =	rddreg [dreg:$0x4]  }
0xb0: {  	s0 =	sadd.s32 @!p0 $0x100000, s0  }
0xb1: {  	[sflag:s0] =	ssyncadd.tile.s32 @!p0 $0x1;
	_ =	shalt  }
.Lfunc_end2:
_tile_overlayer_lowered:
.L_overlay_start_2:
0xb2: {  	(tag) =	ssettag $0x2  }
0xb3: {  	s0 =	rddreg [dreg:$0x0];
	s2 =	stileid.u32  }
0xb4: {  	s1 =	rddreg [dreg:$0x1];
	p0 =	sne.s32 s2, $0x0  }
0xb5: {  	s3 =	rddreg [dreg:$0x2];
	[bflag:$0x3] =	sbarrier.arrive $0xFFFF;
	s2 =	simm.s32 @!p0 $0x1C04  }
0xb6: {  	[timem:s3], [sflag:s2] =	dma.local @!p0 [hbm:s0], s1  }
0xb7: {  	s0 =	simm.s32 @!p0 $0x4  }
0xb8: {  	_ =	swait.ge @!p0 [sflag:s0], s1  }
0xb9: {  	s1 =	ssub.s32 @!p0 $0x0, s1;
	[sflag:s0] =	ssyncset.done @!p0 $0x0  }
0xba: {  	[sflag:s0] =	ssyncadd.s32 @!p0 s1  }
0xbb: {  	[bflag:$0x3] =	sbarrier.arrive $0xFFFF  }
0xbc: {  	_ =	shalt  }

// kernel: kernel.15.cloned.1.call-start
scs
__scs_entry_jumppad:
0x0: {  	(pc) =	sbr.rel $0x88, $3  }
0x1: {  	(tag) =	ssettag $0x0;
	lr =	simm.s32 $0x1  }
0x2: {  	[smem:$0x3F99] =	sst lr;
	_ =	strace $0xD0000000  }
0x3: {  	_ = 	snop  }
0x4: {  	_ = 	snop  }
0x5: {  	_ = 	snop  }
0x6: {  	_ = 	snop  }
0x7: {  	_ = 	snop  }
__scs_overlays_trampoline_lowered:
0x8: {  	[smem:$0x3FA8] =	sst s0  }
0x9: {  	[smem:$0x3FA9] =	sst s1  }
0xa: {  	[smem:$0x3FAA] =	sst s2  }
0xb: {  	[smem:$0x3FAB] =	sst s3  }
0xc: {  	[smem:$0x3FAC] =	sst s4  }
0xd: {  	[smem:$0x3FAD] =	sst s5  }
0xe: {  	[smem:$0x3FAE] =	sst s6  }
0xf: {  	[smem:$0x3FAF] =	sst s7  }
0x10: {  	[smem:$0x3FB0] =	sst s8  }
0x11: {  	[smem:$0x3FB1] =	sst s9;
	s0 =	simm.s32 @!p0 $0x0  }
0x12: {  	s1 =	sld [smem:$0x3F97];
	s0 =	simm.s32 @p0 $0x1  }
0x13: {  	[smem:$0x3FB2] =	sst s0;
	s0 =	simm.s32 @!p1 $0x0  }
0x14: {  	s2 =	sld [smem:$0x3F96];
	s0 =	simm.s32 @p1 $0x1  }
0x15: {  	[smem:$0x3FB3] =	sst s0;
	s0 =	simm.s32 @!p2 $0x0  }
0x16: {  	s3 =	sld [smem:$0x3FDB];
	s0 =	simm.s32 @p2 $0x1  }
0x17: {  	s4 =	simm.s32 $0x1BF5;
	[smem:$0x3FB5] =	sst s0  }
0x18: {  	s0 =	sld [smem:$0x3F98];
	_ =	swait.ge [sflag:s4], $0x0  }
0x19: {  	s7 =	sld [smem:$0x3F99]  }
0x1a: {  	s8 =	sadd.s32 $0xFFFFE003, lr  }
0x1b: {  	s9 =	sadd.s32 $0xFFFFFEF7, lr;
	s5 =	simm.s32 $0xFFFFFFFF;
	p2 =	slt.u32 s8, $0xFFFFF086  }
0x1c: {  	p1 =	slt.u32 s9, $0xF7A;
	s5 =	simm.s32 @!p2 $0x0  }
0x1d: {  	s5 =	simm.s32 @p1 $0x1;
	p0 =	seq.s32 s7, s2  }
0x1e: {  	s7 =	smul.u32 @!p0 $0xF7A, s2;
	p2 =	seq.s32 @!p0 s5, $0x0  }
0x1f: {  	s9 =	smul.u32 $0xF7A, s1;
	s8 =	simm.s32 @!p0 $0x1BF5;
	p2 =	por !p2, p0  }
0x20: {  	[sflag:s8] =	ssyncset.s32 @!p0 $0xFFFFF086;
	s6 =	sadd.s32 @!p0 s3, s7;
	s7 =	simm.s32 @!p0 $0x108  }
0x21: {  	s3 =	sadd.s32 s3, s9;
	s6 =	sadd.s32 @!p0 $0x88, s6;
	s7 =	simm.s32 @p2 $0x1082  }
0x22: {  	[simem:s7], [sflag:s8] =	dma.local @!p0 [hbm:s6], $0xF7A  }
0x23: {  	s9 =	sor.u32 $0xD0000000, s2;
	s6 =	simm.s32 $0x108;
	_ =	swait.ge @!p0 [sflag:s8], $0x0  }
0x24: {  	s3 =	sadd.s32 $0x88, s3;
	s6 =	simm.s32 @!p1 $0x1082;
	[sflag:s4] =	ssyncset.s32 $0xFFFFF086  }
0x25: {  	[simem:s6], [sflag:s4] =	dma.local [hbm:s3], $0xF7A  }
0x26: {  	[smem:$0x3F99] =	sst s1;
	(tag) =	ssettag s2;
	_ =	strace s9  }
0x27: {  	s1 =	sld [smem:$0x3FA9]  }
0x28: {  	s2 =	sld [smem:$0x3FAA]  }
0x29: {  	s4 =	sld [smem:$0x3FAC]  }
0x2a: {  	p0 =	seq.s32 s5, $0x0;
	s5 =	sld [smem:$0x3FAD]  }
0x2b: {  	s6 =	sld [smem:$0x3FAE]  }
0x2c: {  	s7 =	sld [smem:$0x3FAF]  }
0x2d: {  	s3 =	simm.s32 $0x108;
	s8 =	sld [smem:$0x3FB0]  }
0x2e: {  	s3 =	simm.s32 @!p0 $0x1082;
	s9 =	sld [smem:$0x3FB1]  }
0x2f: {  	lr =	sadd.s32 s0, s3;
	s0 =	sld [smem:$0x3FA8]  }
0x30: {  	s3 =	sld [smem:$0x3FAB]  }
0x31: {  	[smem:$0x3FB4] =	sst s10  }
0x32: {  	s10 =	sld [smem:$0x3FB2];
	_ =	sdelay $0x3  }
0x33: {  	p0 =	seq.s32 s10, $0x1;
	s10 =	sld [smem:$0x3FB4];
	_ =	sdelay $0x3  }
0x34: {  	[smem:$0x3FB4] =	sst s10  }
0x35: {  	s10 =	sld [smem:$0x3FB3];
	_ =	sdelay $0x3  }
0x36: {  	p1 =	seq.s32 s10, $0x1;
	s10 =	sld [smem:$0x3FB4];
	_ =	sdelay $0x3  }
0x37: {  	[smem:$0x3FB4] =	sst s10  }
0x38: {  	s10 =	sld [smem:$0x3FB5]  }
0x39: {  	_ = 	snop;
	(pc) =	sbr.ind lr, $3  }
0x3a: {  	_ = 	snop  }
0x3b: {  	_ = 	snop  }
0x3c: {  	p2 =	seq.s32 s10, $0x1;
	s10 =	sld [smem:$0x3FB4]  }
0x3d: {  	_ =	shalt  }
0x3e: {  	_ =	shalt  }
0x3f: {  	_ =	shalt  }
0x40: {  	_ =	shalt  }
0x41: {  	_ =	shalt  }
0x42: {  	_ =	shalt  }
0x43: {  	_ =	shalt  }
0x44: {  	_ =	shalt  }
0x45: {  	_ =	shalt  }
0x46: {  	_ =	shalt  }
0x47: {  	_ =	shalt  }
0x48: {  	_ =	shalt  }
0x49: {  	_ =	shalt  }
0x4a: {  	_ =	shalt  }
0x4b: {  	_ =	shalt  }
0x4c: {  	_ =	shalt  }
0x4d: {  	_ =	shalt  }
0x4e: {  	_ =	shalt  }
0x4f: {  	_ =	shalt  }
0x50: {  	_ =	shalt  }
0x51: {  	_ =	shalt  }
0x52: {  	_ =	shalt  }
0x53: {  	_ =	shalt  }
0x54: {  	_ =	shalt  }
0x55: {  	_ =	shalt  }
0x56: {  	_ =	shalt  }
0x57: {  	_ =	shalt  }
0x58: {  	_ =	shalt  }
0x59: {  	_ =	shalt  }
0x5a: {  	_ =	shalt  }
0x5b: {  	_ =	shalt  }
0x5c: {  	_ =	shalt  }
0x5d: {  	_ =	shalt  }
0x5e: {  	_ =	shalt  }
0x5f: {  	_ =	shalt  }
0x60: {  	_ =	shalt  }
0x61: {  	_ =	shalt  }
0x62: {  	_ =	shalt  }
0x63: {  	_ =	shalt  }
0x64: {  	_ =	shalt  }
0x65: {  	_ =	shalt  }
0x66: {  	_ =	shalt  }
0x67: {  	_ =	shalt  }
0x68: {  	_ =	shalt  }
0x69: {  	_ =	shalt  }
0x6a: {  	_ =	shalt  }
0x6b: {  	_ =	shalt  }
0x6c: {  	_ =	shalt  }
0x6d: {  	_ =	shalt  }
0x6e: {  	_ =	shalt  }
0x6f: {  	_ =	shalt  }
0x70: {  	_ =	shalt  }
0x71: {  	_ =	shalt  }
0x72: {  	_ =	shalt  }
0x73: {  	_ =	shalt  }
0x74: {  	_ =	shalt  }
0x75: {  	_ =	shalt  }
0x76: {  	_ =	shalt  }
0x77: {  	_ =	shalt  }
0x78: {  	_ =	shalt  }
0x79: {  	_ =	shalt  }
0x7a: {  	_ =	shalt  }
0x7b: {  	_ =	shalt  }
0x7c: {  	_ =	shalt  }
0x7d: {  	_ =	shalt  }
0x7e: {  	_ =	shalt  }
0x7f: {  	_ =	shalt  }
0x80: {  	_ =	shalt  }
0x81: {  	_ =	shalt  }
0x82: {  	_ =	shalt  }
0x83: {  	_ =	shalt  }
0x84: {  	_ =	shalt  }
0x85: {  	_ =	shalt  }
0x86: {  	_ =	shalt  }
0x87: {  	_ =	shalt  }
.Lfunc_end0:
.L_simem_size_0:
called_computation.2_lowered:
.L_overlay_start_0:
0x88: {  	s2 =	sld [smem:$0x3FD9]  }
0x89: {  	s3 =	sld [smem:$0x3FFE];
	_ =	sdelay $0x1  }
0x8a: {  	s1 =	srdreg.scid  }
0x8b: {  	s0 =	sand.u32 $0x1, s1  }
0x8c: {  	s14 =	sshll.u32 s0, $0xA;
	s2 =	sadd.s32 s3, s2  }
0x8d: {  	s2 =	sadd.s32 s2, s14  }
0x8e: {  	[smem:$0x3FC0] =	sst s2  }
0x8f: {  	_ = 	snop  }
0x90: {  	s2 =	sld [smem:$0x3FD0];
	_ =	sdelay $0x2  }
0x91: {  	s15 =	simm.s32 $0xA;
	s4 =	simm.s32 $0x10  }
0x92: {  	[smem:s4], [sflag:s15] =	dma.local [hbm:s2], $0x1  }
0x93: {  	_ =	swait.eq [sflag:s15], $0x1  }
0x94: {  	[sflag:s15] =	ssyncset.done $0x0  }
0x95: {  	s16 =	sld [smem:$0x10];
	[sflag:s15] =	ssyncadd.s32 $0xFFFFFFFF  }
0x96: {  	s17 =	sld [smem:$0x11];
	(tm) =	ssettm $0x1  }
0x97: {  	s18 =	sld [smem:$0x3FFB];
	_ =	sdelay $0x3  }
0x98: {  	_ =	strace s18  }
0x99: {  	s4 =	sld [smem:$0x3FFC];
	_ =	sdelay $0x3  }
0x9a: {  	_ =	strace s4  }
0x9b: {  	s4 =	sld [smem:$0x3FFD];
	_ =	sdelay $0x3  }
0x9c: {  	_ =	strace s4  }
0x9d: {  	_ =	strace $0x8FFFFFFF  }
0x9e: {  	s19 =	sld [smem:$0x3FDB];
	_ =	sdelay $0x1  }
0x9f: {  	s5 =	simm.s32 $_scs_section_size  }
0xa0: {  	s6 =	simm.s32 $_size__tile_overlayer_lowered;
	s7 =	simm.s32 $_tile_overlayer_lowered  }
0xa1: {  	s22 =	simm.s32 $0x1BFF;
	s21 =	sshll.u32 s7, $0x1;
	s4 =	sadd.s32 s5, s19  }
0xa2: {  	s8 =	simm.s32 $0x0;
	s20 =	sshll.u32 s6, $0x1;
	s6 =	sadd.s32 s21, s4  }
0xa3: {  	[timem:s8], [sflag:s22] =	dma.local [hbm:s6], s20  }
0xa4: {  	_ =	swait.ge [sflag:s22], s20  }
0xa5: {  	s5 =	ssub.s32 $0x0, s20;
	[sflag:s22] =	ssyncset.done $0x0  }
0xa6: {  	[sflag:s22] =	ssyncadd.s32 s5;
	_ =	sdelay $0x1  }
0xa7: {  	s23 =	simm.s32 $0x1B8B  }
0xa8: {  	_ =	swait.ge [sflag:s23], $0x1  }
0xa9: {  	[sflag:s23] =	ssyncset.done $0x0  }
0xaa: {  	s25 =	simm.s32 $0x1B8E;
	s24 =	sld [smem:$0x3FFE];
	[sflag:s23] =	ssyncadd.s32 $0xFFFFFFFF  }
0xab: {  	s26 =	simm.s32 $execute0_lowered;
	[smem:$0x3FD2] =	sst s25  }
0xac: {  	s6 =	sshll.u32 s26, $0x1;
	_ =	strace $0x8000004C;
	[dreg:$0x1] =	wrdreg $0xFFFFFFFF  }
0xad: {  	s28 =	simm.s32 $_size_execute0_lowered;
	s4 =	sadd.s32 s4, s6;
	[dreg:$0x0] =	wrdreg $0x0  }
0xae: {  	s6 =	sshll.u32 s28, $0x1;
	[dreg:$0x2] =	wrdreg s4  }
0xaf: {  	[dreg:$0x3] =	wrdreg s6  }
0xb0: {  	[dreg:$0x4] =	wrdreg $0xC0  }
0xb1: {  	_ =	task [dreg:s8], $0x5FFFF  }
0xb2: {  	[dreg:$0x1] =	wrdreg $0xFFFFFFFF  }
0xb3: {  	[dreg:$0x0] =	wrdreg $0x60  }
0xb4: {  	[dreg:$0x2] =	wrdreg s24  }
0xb5: {  	[dreg:$0x3] =	wrdreg s17  }
0xb6: {  	[dreg:$0x4] =	wrdreg s16  }
0xb7: {  	[dreg:$0x5] =	wrdreg $0x82000  }
0xb8: {  	[dreg:$0x6] =	wrdreg $0x9  }
0xb9: {  	_ =	task.clear_ibuf [dreg:s8], $0x7FFFF;
	_ =	strace $0x9000004C  }
0xba: {  	s29 =	simm.s32 $0x9;
	_ =	strace $0x8000004E  }
0xbb: {  	_ =	swait.ge [sflag:s29], $0x1  }
0xbc: {  	[sflag:s29] =	ssyncadd.s32 $0xFFFFFFFF  }
0xbd: {  	_ =	strace $0x9000004E  }
0xbe: {  	_ =	sfence  }
0xbf: {  	s30 =	sld [smem:$0x0];
	_ =	sdelay $0x2  }
0xc0: {  	s31 =	sshll.u32 s1, $0xD;
	s1 =	sshrl.u32 s1, $0x2  }
0xc1: {  	s3 =	sand.u32 $0x4000, s31;
	s1 =	sadd.s32 s1, s30  }
0xc2: {  	s0 =	sor.u32 s3, s0;
	s1 =	sshll.u32 s1, $0x11  }
0xc3: {  	s0 =	sor.u32 s1, s0  }
0xc4: {  	s0 =	sadd.s32 $0x8F2B, s0  }
0xc5: {  	[sflag:s0] =	ssyncadd.remote.s32 $0x1  }
0xc6: {  	_ =	sfence.sel $0xFFFF  }
0xc7: {  	[dreg:$0x0] =	wrdreg $0xFFFFFFFF;
	(pc) =	sbr.abs _section_cstart, $3  }
0xc8: {  	[dreg:$0x1] =	wrdreg $0xFFFFFFFF  }
0xc9: {  	_ =	task.clear_ibuf [dreg:s8], $0x2FFFF;
	_ =	strace $0x9FFFFFFF  }
0xca: {  	(tm) =	ssettm $0x7FFFFFFF  }
0xcb: {  	_ =	shalt  }
tec
execute0_lowered:
.L_overlay_start_1:
0x0: {  	(tag) =	ssettag $0x1  }
0x1: {  	s0 =	rddreg [dreg:$0x0]  }
0x2: {  	s1 =	rddreg [dreg:$0x1]  }
0x3: {  	s6 =	rddreg [dreg:$0x2]  }
0x4: {  	s2 =	rddreg [dreg:$0x3]  }
0x5: {  	s3 =	simm.s32 $0x0;
	s14 =	stileid.u32;
	s4 =	srdreg.scid  }
0x6: {  	s17 =	simm.s32 $0x80;
	s18 =	simm.s32 $0x200;
	s19 =	simm.s32 $0x1  }
0x7: {  	[smem:$0x7FF] =	sst s3;
	s24 =	smul.u32 $0x2800, s14;
	s11 =	sand.u32 $0x1, s4  }
0x8: {  	s4 =	simm.s32 $0x68;
	s5 =	sadd.s32 $0x2600, s0;
	s10 =	smul.u32 $0x50000, s14  }
0x9: {  	s23 =	sshll.u32 s14, $0x6;
	s7 =	smul.u32 $0x28000, s11;
	p0 =	seq.s32 s11, $0x0  }
0xa: {  	s8 =	smul.u32 $0x680, s11;
	_ =	strace $0x8000004D;
	s9 =	ssub.s32 $0x2, s11  }
0xb: {  	s30 =	smul.u32 $0x6800, s11;
	s4 =	simm.s32 @!p0 $0x36;
	s13 =	sadd.s32 s24, s0  }
0xc: {  	s20 =	sshrl.u32 s9, $0x1;
	s21 =	sshrl.u32 s10, $0x2;
	s12 =	smul.u32 s14, s4  }
0xd: {  	s0 =	sadd.s32 s7, s0;
	s9 =	ssub.s32 s9, s20;
	s15 =	sadd.s32 s21, s2  }
0xe: {  	s22 =	sadd.s32 $0x29800, s13;
	s7 =	sor.u32 $0x1C04, s23;
	s20 =	simm.s32 $0x100  }
0xf: {  	s21 =	simm.s32 $0x180;
	s23 =	simm.s32 $0x2;
	[dreg:$0x5] =	wrdreg s22  }
0x10: {  	s0 =	sadd.s32 $0x51800, s0;
	s26 =	smax.u32 s9, $0x1;
	s15 =	sshrl.u32 s15, $0x3  }
0x11: {  	s22 =	simm.s32 $0x4200;
	s8 =	sadd.s32 s8, s12;
	[dreg:$0x6] =	wrdreg s26  }
0x12: {  	s12 =	sshll.u32 s12, $0x4;
	s24 =	sadd.s32 s24, s0;
	s25 =	sshll.u32 s8, $0x4  }
0x13: {  	s26 =	simm.s32 $0x0;
	s16 =	sadd.s32 s12, s6;
	s28 =	sadd.s32 s1, s25  }
0x14: {  	s29 =	sadd.s32 s6, s25;
	s13 =	sor.u32 $0x10, s25;
	s14 =	sadd.s32 s30, s16  }
0x15: {  	s16 =	simm.s32 $0x4;
	s25 =	simm.s32 $0x3;
	[dreg:$0x7] =	wrdreg s28  }
0x16: {  	[dreg:$0x8] =	wrdreg s29;
	s31 =	sadd.s32 s1, s13;
	s1 =	sadd.s32 s12, s1  }
0x17: {  	s12 =	sadd.s32 s6, s13;
	[dreg:$0x9] =	wrdreg s31;
	s13 =	sadd.s32 s30, s1  }
.LBB2_1:
0x18: {  	s0 =	rddreg [dreg:$0x5]  }
0x19: {  	[spmem:s15], [sflag:s7] =	dma.local [hbm:s0], $0x2800  }
0x1a: {  	_ =	swait.ge [sflag:s16], $0x2800  }
0x1b: {  	[sflag:s16] =	ssyncset.done $0x0  }
0x1c: {  	[sflag:s16] =	ssyncadd.s32 $0xFFFFD800  }
0x1d: {  	[bflag:$0x0] =	sbarrier.arrive $0xFFFF  }
0x1e: {  	s9 =	rddreg [dreg:$0x7]  }
0x1f: {  	[tilespmem:s3], [sflag:$0x4] =	stream.linear.gather [hbm4b:s9+s3], $0x80, $0x38;
	[tilespmem:$0x1C200] =	vst v63  }
0x20: {  	_ =	swait.ge [sflag:s16], $0x80  }
0x21: {  	[sflag:s16] =	ssyncset.done $0x0  }
0x22: {  	s10 =	rddreg [dreg:$0x8];
	[sflag:s16] =	ssyncadd.s32 $0xFFFFFF80  }
0x23: {  	[tilespmem:s17], [sflag:$0x4] =	stream.linear.gather [hbm4b:s10+s3], $0x80, $0x38;
	[tilespmem:$0x1C200] =	vst v63  }
0x24: {  	_ =	swait.ge [sflag:s16], $0x80  }
0x25: {  	[sflag:s16] =	ssyncset.done $0x0  }
0x26: {  	[sflag:s16] =	ssyncadd.s32 $0xFFFFFF80  }
0x27: {  	[tilespmem:s18], [sflag:$0x1] =	stream.indirect.gather [hbm4b:s5+s17], $0x80, s3, s17, $0xb8;
	[tilespmem:$0x1C200] =	vst v63  }
0x28: {  	_ =	swait.ge [sflag:s19], $0x4000  }
0x29: {  	[sflag:s19] =	ssyncset.done $0x0  }
0x2a: {  	[sflag:s19] =	ssyncadd.s32 $0xFFFFC000  }
0x2b: {  	[spmem:s2] =	stream.indirect.scatter.add.f32 [tilespmem:s18], [sflag:$0x2], $0x80, s17, s17, $0xb8;
	[tilespmem:$0x1C200] =	vst v63  }
0x2c: {  	s11 =	rddreg [dreg:$0x9]  }
0x2d: {  	[tilespmem:s20], [sflag:$0x4] =	stream.linear.gather [hbm4b:s11+s3], $0x80, $0x38;
	[tilespmem:$0x1C200] =	vst v63  }
0x2e: {  	_ =	swait.ge [sflag:s16], $0x80  }
0x2f: {  	[sflag:s16] =	ssyncset.done $0x0  }
0x30: {  	[sflag:s16] =	ssyncadd.s32 $0xFFFFFF80  }
0x31: {  	[tilespmem:s21], [sflag:$0x4] =	stream.linear.gather [hbm4b:s12+s3], $0x80, $0x38;
	[tilespmem:$0x1C200] =	vst v63  }
0x32: {  	_ =	swait.ge [sflag:s16], $0x80  }
0x33: {  	[sflag:s16] =	ssyncset.done $0x0  }
0x34: {  	[sflag:s16] =	ssyncadd.s32 $0xFFFFFF80  }
0x35: {  	[tilespmem:s22], [sflag:$0x1] =	stream.indirect.gather [hbm4b:s5+s17], $0x80, s20, s17, $0xb8;
	[tilespmem:$0x1C200] =	vst v63  }
0x36: {  	_ =	swait.ge [sflag:s19], $0x4000  }
0x37: {  	p0 =	sle.u32 s4, $0x2;
	[sflag:s19] =	ssyncset.done $0x0  }
0x38: {  	s0 =	simm.s32 @!p0 $0x2;
	[sflag:s19] =	ssyncadd.s32 $0xFFFFC000  }
0x39: {  	[spmem:s2] =	stream.indirect.scatter.add.f32 [tilespmem:s22], [sflag:$0x3], $0x80, s21, s17, $0xb8;
	[tilespmem:$0x1C200] =	vst v63  }
0x3a: {  	_ =	swait.ge @!p0 [sflag:s0], $0x4000;
	p0 =	por p0, p0  }
0x3b: {  	[sflag:s0] =	ssyncset.done @!p0 $0x0;
	s1 =	sadd.s32 @!p0 $0x0, s13;
	s28 =	simm.s32 @!p0 $0x4  }
0x3c: {  	s30 =	simm.s32 @!p0 $0x0;
	[sflag:s0] =	ssyncadd.s32 @!p0 $0xFFFFC000;
	s0 =	sadd.s32 @!p0 $0x20, s1  }
0x3d: {  	[tilespmem:s30], [sflag:$0x4] =	stream.linear.gather @!p0 [hbm4b:s0+s30], $0x80, $0x38;
	[tilespmem:$0x1C200] =	vst v63  }
0x3e: {  	_ =	swait.ge @!p0 [sflag:s28], $0x80  }
0x3f: {  	s6 =	sadd.s32 @!p0 $0x0, s14;
	[sflag:s28] =	ssyncset.done @!p0 $0x0  }
0x40: {  	s29 =	simm.s32 @!p0 $0x80;
	s0 =	sadd.s32 @!p0 $0x20, s6;
	[sflag:s28] =	ssyncadd.s32 @!p0 $0xFFFFFF80  }
0x41: {  	[tilespmem:s29], [sflag:$0x4] =	stream.linear.gather @!p0 [hbm4b:s0+s30], $0x80, $0x38;
	[tilespmem:$0x1C200] =	vst v63  }
0x42: {  	_ =	swait.ge @!p0 [sflag:s28], $0x80  }
0x43: {  	[sflag:s28] =	ssyncset.done @!p0 $0x0  }
0x44: {  	s31 =	simm.s32 @!p0 $0x200;
	s0 =	simm.s32 @!p0 $0x1;
	[sflag:s28] =	ssyncadd.s32 @!p0 $0xFFFFFF80  }
0x45: {  	[tilespmem:s31], [sflag:$0x1] =	stream.indirect.gather @!p0 [hbm4b:s5+s29], $0x80, s30, s29, $0xb8;
	[tilespmem:$0x1C200] =	vst v63  }
0x46: {  	_ =	swait.ge @!p0 [sflag:s0], $0x4000  }
0x47: {  	[sflag:s0] =	ssyncset.done @!p0 $0x0  }
0x48: {  	[sflag:s0] =	ssyncadd.s32 @!p0 $0xFFFFC000  }
0x49: {  	[spmem:s2] =	stream.indirect.scatter.add.f32 @!p0 [tilespmem:s31], [sflag:$0x2], $0x80, s29, s29, $0xb8;
	[tilespmem:$0x1C200] =	vst v63  }
0x4a: {  	s31 =	simm.s32 @!p0 $0x3  }
0x4b: {  	_ =	swait.ge @!p0 [sflag:s31], $0x4000  }
0x4c: {  	[sflag:s31] =	ssyncset.done @!p0 $0x0  }
0x4d: {  	s1 =	sadd.s32 @!p0 $0x30, s1;
	[sflag:s31] =	ssyncadd.s32 @!p0 $0xFFFFC000;
	s31 =	simm.s32 @!p0 $0x100  }
0x4e: {  	[tilespmem:s31], [sflag:$0x4] =	stream.linear.gather @!p0 [hbm4b:s1+s30], $0x80, $0x38;
	[tilespmem:$0x1C200] =	vst v63  }
0x4f: {  	_ =	swait.ge @!p0 [sflag:s28], $0x80  }
0x50: {  	[sflag:s28] =	ssyncset.done @!p0 $0x0  }
0x51: {  	s1 =	sadd.s32 @!p0 $0x30, s6;
	s6 =	simm.s32 @!p0 $0x180;
	[sflag:s28] =	ssyncadd.s32 @!p0 $0xFFFFFF80  }
0x52: {  	[tilespmem:s6], [sflag:$0x4] =	stream.linear.gather @!p0 [hbm4b:s1+s30], $0x80, $0x38;
	[tilespmem:$0x1C200] =	vst v63  }
0x53: {  	_ =	swait.ge @!p0 [sflag:s28], $0x80  }
0x54: {  	[sflag:s28] =	ssyncset.done @!p0 $0x0  }
0x55: {  	s1 =	simm.s32 @!p0 $0x4200;
	[sflag:s28] =	ssyncadd.s32 @!p0 $0xFFFFFF80  }
0x56: {  	[tilespmem:s1], [sflag:$0x1] =	stream.indirect.gather @!p0 [hbm4b:s5+s29], $0x80, s31, s29, $0xb8;
	[tilespmem:$0x1C200] =	vst v63  }
0x57: {  	p2 =	sle.u32 s4, $0x4;
	s30 =	simm.s32 $0x40;
	_ =	swait.ge @!p0 [sflag:s0], $0x4000  }
0x58: {  	s28 =	simm.s32 $0x20;
	s31 =	simm.s32 $0x4;
	[sflag:s0] =	ssyncset.done @!p0 $0x0  }
.LBB2_2:
0x59: {  	s8 =	simm.s32 @!p2 $0x2  }
0x5a: {  	[sflag:s0] =	ssyncadd.s32 @!p0 $0xFFFFC000;
	s0 =	smov.u32 s30;
	s30 =	sadd.s32 $0x20, s30  }
0x5b: {  	[spmem:s2] =	stream.indirect.scatter.add.f32 @!p0 [tilespmem:s1], [sflag:$0x3], $0x80, s6, s29, $0xb8;
	[tilespmem:$0x1C200] =	vst v63  }
0x5c: {  	p1 =	sne.s32 s30, $0x9C0;
	p0 =	por p2, p2;
	_ =	swait.ge @!p2 [sflag:s8], $0x4000  }
0x5d: {  	s6 =	sadd.s32 @!p0 s28, s13;
	s1 =	simm.s32 @!p0 $0x4;
	[sflag:s8] =	ssyncset.done @!p0 $0x0  }
0x5e: {  	s9 =	simm.s32 @!p0 $0x0;
	[sflag:s8] =	ssyncadd.s32 @!p0 $0xFFFFC000;
	s8 =	sadd.s32 @!p0 $0x20, s6  }
0x5f: {  	[tilespmem:s9], [sflag:$0x4] =	stream.linear.gather @!p0 [hbm4b:s8+s9], $0x80, $0x38;
	[tilespmem:$0x1C200] =	vst v63  }
0x60: {  	s6 =	sadd.s32 @!p0 $0x30, s6;
	_ =	swait.ge @!p0 [sflag:s1], $0x80  }
0x61: {  	s8 =	sadd.s32 @!p0 s28, s14;
	s28 =	smov.u32 s0;
	[sflag:s1] =	ssyncset.done @!p0 $0x0  }
0x62: {  	s29 =	simm.s32 @!p0 $0x80;
	s0 =	sadd.s32 @!p0 $0x20, s8;
	[sflag:s1] =	ssyncadd.s32 @!p0 $0xFFFFFF80  }
0x63: {  	[tilespmem:s29], [sflag:$0x4] =	stream.linear.gather @!p0 [hbm4b:s0+s9], $0x80, $0x38;
	[tilespmem:$0x1C200] =	vst v63  }
0x64: {  	s8 =	sadd.s32 @!p0 $0x30, s8;
	_ =	swait.ge @!p0 [sflag:s1], $0x80  }
0x65: {  	[sflag:s1] =	ssyncset.done @!p0 $0x0  }
0x66: {  	s10 =	simm.s32 @!p0 $0x200;
	s0 =	simm.s32 @!p0 $0x1;
	[sflag:s1] =	ssyncadd.s32 @!p0 $0xFFFFFF80  }
0x67: {  	[tilespmem:s10], [sflag:$0x1] =	stream.indirect.gather @!p0 [hbm4b:s5+s29], $0x80, s9, s29, $0xb8;
	[tilespmem:$0x1C200] =	vst v63  }
0x68: {  	_ =	swait.ge @!p0 [sflag:s0], $0x4000  }
0x69: {  	[sflag:s0] =	ssyncset.done @!p0 $0x0  }
0x6a: {  	s11 =	simm.s32 @!p0 $0x3;
	[sflag:s0] =	ssyncadd.s32 @!p0 $0xFFFFC000  }
0x6b: {  	[spmem:s2] =	stream.indirect.scatter.add.f32 @!p0 [tilespmem:s10], [sflag:$0x2], $0x80, s29, s29, $0xb8;
	[tilespmem:$0x1C200] =	vst v63  }
0x6c: {  	_ =	swait.ge @!p0 [sflag:s11], $0x4000  }
0x6d: {  	[sflag:s11] =	ssyncset.done @!p0 $0x0  }
0x6e: {  	s10 =	simm.s32 @!p0 $0x100;
	[sflag:s11] =	ssyncadd.s32 @!p0 $0xFFFFC000  }
0x6f: {  	[tilespmem:s10], [sflag:$0x4] =	stream.linear.gather @!p0 [hbm4b:s6+s9], $0x80, $0x38;
	[tilespmem:$0x1C200] =	vst v63  }
0x70: {  	_ =	swait.ge @!p0 [sflag:s1], $0x80  }
0x71: {  	[sflag:s1] =	ssyncset.done @!p0 $0x0  }
0x72: {  	s6 =	simm.s32 @!p0 $0x180;
	[sflag:s1] =	ssyncadd.s32 @!p0 $0xFFFFFF80  }
0x73: {  	[tilespmem:s6], [sflag:$0x4] =	stream.linear.gather @!p0 [hbm4b:s8+s9], $0x80, $0x38;
	[tilespmem:$0x1C200] =	vst v63  }
0x74: {  	_ =	swait.ge @!p0 [sflag:s1], $0x80  }
.Ltmp0:
0x75: {  	[sflag:s1] =	ssyncset.done @!p0 $0x0;
	(pc) =	sbr.rel @p1 .LBB2_2-.Ltmp0, $4  }
0x76: {  	[sflag:s1] =	ssyncadd.s32 @!p0 $0xFFFFFF80;
	s1 =	simm.s32 @!p0 $0x4200  }
0x77: {  	[tilespmem:s1], [sflag:$0x1] =	stream.indirect.gather @!p0 [hbm4b:s5+s29], $0x80, s10, s29, $0xb8;
	[tilespmem:$0x1C200] =	vst v63  }
0x78: {  	s31 =	sadd.s32 $0x2, s31;
	_ =	swait.ge @!p0 [sflag:s0], $0x4000  }
0x79: {  	p2 =	sge.u32 s31, s4;
	[sflag:s0] =	ssyncset.done @!p0 $0x0  }
0x7a: {  	s8 =	simm.s32 @!p2 $0x2;
	[sflag:s0] =	ssyncadd.s32 @!p0 $0xFFFFC000  }
0x7b: {  	[spmem:s2] =	stream.indirect.scatter.add.f32 @!p0 [tilespmem:s1], [sflag:$0x3], $0x80, s6, s29, $0xb8;
	[tilespmem:$0x1C200] =	vst v63  }
0x7c: {  	p0 =	por p2, p2;
	_ =	swait.ge @!p2 [sflag:s8], $0x4000  }
0x7d: {  	s0 =	sadd.s32 @!p0 s28, s13;
	s1 =	simm.s32 @!p0 $0x4;
	[sflag:s8] =	ssyncset.done @!p0 $0x0  }
0x7e: {  	s6 =	sadd.s32 @!p0 $0x20, s0;
	[sflag:s8] =	ssyncadd.s32 @!p0 $0xFFFFC000;
	s8 =	simm.s32 @!p0 $0x0  }
0x7f: {  	[tilespmem:s8], [sflag:$0x4] =	stream.linear.gather @!p0 [hbm4b:s6+s8], $0x80, $0x38;
	[tilespmem:$0x1C200] =	vst v63  }
0x80: {  	_ =	swait.ge @!p0 [sflag:s1], $0x80  }
0x81: {  	s6 =	sadd.s32 @!p0 s28, s14;
	[sflag:s1] =	ssyncset.done @!p0 $0x0  }
0x82: {  	s10 =	simm.s32 @!p0 $0x80;
	s9 =	sadd.s32 @!p0 $0x20, s6;
	[sflag:s1] =	ssyncadd.s32 @!p0 $0xFFFFFF80  }
0x83: {  	[tilespmem:s10], [sflag:$0x4] =	stream.linear.gather @!p0 [hbm4b:s9+s8], $0x80, $0x38;
	[tilespmem:$0x1C200] =	vst v63  }
0x84: {  	_ =	swait.ge @!p0 [sflag:s1], $0x80  }
0x85: {  	[sflag:s1] =	ssyncset.done @!p0 $0x0  }
0x86: {  	s11 =	simm.s32 @!p0 $0x1;
	s9 =	simm.s32 @!p0 $0x200;
	[sflag:s1] =	ssyncadd.s32 @!p0 $0xFFFFFF80  }
0x87: {  	[tilespmem:s9], [sflag:$0x1] =	stream.indirect.gather @!p0 [hbm4b:s5+s10], $0x80, s8, s10, $0xb8;
	[tilespmem:$0x1C200] =	vst v63  }
0x88: {  	_ =	swait.ge @!p0 [sflag:s11], $0x4000  }
0x89: {  	[sflag:s11] =	ssyncset.done @!p0 $0x0  }
0x8a: {  	s28 =	simm.s32 @!p0 $0x3;
	[sflag:s11] =	ssyncadd.s32 @!p0 $0xFFFFC000  }
0x8b: {  	[spmem:s2] =	stream.indirect.scatter.add.f32 @!p0 [tilespmem:s9], [sflag:$0x2], $0x80, s10, s10, $0xb8;
	[tilespmem:$0x1C200] =	vst v63  }
0x8c: {  	_ =	swait.ge @!p0 [sflag:s28], $0x4000  }
0x8d: {  	[sflag:s28] =	ssyncset.done @!p0 $0x0  }
0x8e: {  	s0 =	sadd.s32 @!p0 $0x30, s0;
	s9 =	simm.s32 @!p0 $0x100;
	[sflag:s28] =	ssyncadd.s32 @!p0 $0xFFFFC000  }
0x8f: {  	[tilespmem:s9], [sflag:$0x4] =	stream.linear.gather @!p0 [hbm4b:s0+s8], $0x80, $0x38;
	[tilespmem:$0x1C200] =	vst v63  }
0x90: {  	_ =	swait.ge @!p0 [sflag:s1], $0x80  }
0x91: {  	[sflag:s1] =	ssyncset.done @!p0 $0x0  }
0x92: {  	s0 =	sadd.s32 @!p0 $0x30, s6;
	s6 =	simm.s32 @!p0 $0x180;
	[sflag:s1] =	ssyncadd.s32 @!p0 $0xFFFFFF80  }
0x93: {  	[tilespmem:s6], [sflag:$0x4] =	stream.linear.gather @!p0 [hbm4b:s0+s8], $0x80, $0x38;
	[tilespmem:$0x1C200] =	vst v63  }
0x94: {  	_ =	swait.ge @!p0 [sflag:s1], $0x80  }
0x95: {  	[sflag:s1] =	ssyncset.done @!p0 $0x0  }
0x96: {  	s0 =	simm.s32 @!p0 $0x4200;
	[sflag:s1] =	ssyncadd.s32 @!p0 $0xFFFFFF80  }
0x97: {  	[tilespmem:s0], [sflag:$0x1] =	stream.indirect.gather @!p0 [hbm4b:s5+s10], $0x80, s9, s10, $0xb8;
	[tilespmem:$0x1C200] =	vst v63  }
0x98: {  	_ =	swait.ge @!p0 [sflag:s11], $0x4000  }
0x99: {  	[sflag:s11] =	ssyncset.done @!p0 $0x0  }
0x9a: {  	[sflag:s11] =	ssyncadd.s32 @!p0 $0xFFFFC000  }
0x9b: {  	[spmem:s2] =	stream.indirect.scatter.add.f32 @!p0 [tilespmem:s0], [sflag:$0x3], $0x80, s6, s10, $0xb8;
	[tilespmem:$0x1C200] =	vst v63  }
0x9c: {  	_ =	swait.ge [sflag:s23], $0x4000  }
0x9d: {  	[sflag:s23] =	ssyncset.done $0x0  }
0x9e: {  	[sflag:s23] =	ssyncadd.s32 $0xFFFFC000  }
0x9f: {  	_ =	swait.ge [sflag:s25], $0x4000  }
0xa0: {  	[sflag:s25] =	ssyncset.done $0x0  }
0xa1: {  	[sflag:s25] =	ssyncadd.s32 $0xFFFFC000  }
0xa2: {  	[bflag:$0x0] =	sbarrier.arrive $0xFFFF  }
0xa3: {  	[hbm:s24], [sflag:s7] =	dma.local [spmem:s15], $0x2800  }
0xa4: {  	_ =	swait.ge [sflag:s16], $0x2800  }
0xa5: {  	s26 =	sadd.s32 $0x1, s26;
	s31 =	rddreg [dreg:$0x6]  }
0xa6: {  	p0 =	sne.s32 s26, s31  }
.Ltmp1:
0xa7: {  	_ = 	snop;
	(pc) =	sbr.rel @p0 .LBB2_1-.Ltmp1, $3  }
0xa8: {  	_ =	sdelay $0x1  }
0xa9: {  	[sflag:s16] =	ssyncset.done $0x0  }
0xaa: {  	[sflag:s16] =	ssyncadd.s32 $0xFFFFD800  }
0xab: {  	_ =	sfence.sel $0x180000  }
0xac: {  	[bflag:$0x0] =	sbarrier.arrive $0xFFFF  }
0xad: {  	_ =	strace $0x9000004D  }
0xae: {  	s0 =	stileid.u32;
	[bflag:$0x2] =	sbarrier.arrive $0xFFFF  }
0xaf: {  	p0 =	sne.s32 s0, $0x0;
	s0 =	rddreg [dreg:$0x4]  }
0xb0: {  	s0 =	sadd.s32 @!p0 $0x100000, s0  }
0xb1: {  	[sflag:s0] =	ssyncadd.tile.s32 @!p0 $0x1;
	_ =	shalt  }
.Lfunc_end2:
_tile_overlayer_lowered:
.L_overlay_start_2:
0xb2: {  	(tag) =	ssettag $0x2  }
0xb3: {  	s0 =	rddreg [dreg:$0x0];
	s2 =	stileid.u32  }
0xb4: {  	s1 =	rddreg [dreg:$0x1];
	p0 =	sne.s32 s2, $0x0  }
0xb5: {  	s3 =	rddreg [dreg:$0x2];
	[bflag:$0x3] =	sbarrier.arrive $0xFFFF;
	s2 =	simm.s32 @!p0 $0x1C04  }
0xb6: {  	[timem:s3], [sflag:s2] =	dma.local @!p0 [hbm:s0], s1  }
0xb7: {  	s0 =	simm.s32 @!p0 $0x4  }
0xb8: {  	_ =	swait.ge @!p0 [sflag:s0], s1  }
0xb9: {  	s1 =	ssub.s32 @!p0 $0x0, s1;
	[sflag:s0] =	ssyncset.done @!p0 $0x0  }
0xba: {  	[sflag:s0] =	ssyncadd.s32 @!p0 s1  }
0xbb: {  	[bflag:$0x3] =	sbarrier.arrive $0xFFFF  }
0xbc: {  	_ =	shalt  }

// kernel: kernel.9.cloned.1.call-start
scs
__scs_entry_jumppad:
0x0: {  	(pc) =	sbr.rel $0x88, $3  }
0x1: {  	(tag) =	ssettag $0x0;
	lr =	simm.s32 $0x1  }
0x2: {  	[smem:$0x3F99] =	sst lr;
	_ =	strace $0xD0000000  }
0x3: {  	_ = 	snop  }
0x4: {  	_ = 	snop  }
0x5: {  	_ = 	snop  }
0x6: {  	_ = 	snop  }
0x7: {  	_ = 	snop  }
__scs_overlays_trampoline_lowered:
0x8: {  	[smem:$0x3FA8] =	sst s0  }
0x9: {  	[smem:$0x3FA9] =	sst s1  }
0xa: {  	[smem:$0x3FAA] =	sst s2  }
0xb: {  	[smem:$0x3FAB] =	sst s3  }
0xc: {  	[smem:$0x3FAC] =	sst s4  }
0xd: {  	[smem:$0x3FAD] =	sst s5  }
0xe: {  	[smem:$0x3FAE] =	sst s6  }
0xf: {  	[smem:$0x3FAF] =	sst s7  }
0x10: {  	[smem:$0x3FB0] =	sst s8  }
0x11: {  	[smem:$0x3FB1] =	sst s9;
	s0 =	simm.s32 @!p0 $0x0  }
0x12: {  	s1 =	sld [smem:$0x3F97];
	s0 =	simm.s32 @p0 $0x1  }
0x13: {  	[smem:$0x3FB2] =	sst s0;
	s0 =	simm.s32 @!p1 $0x0  }
0x14: {  	s2 =	sld [smem:$0x3F96];
	s0 =	simm.s32 @p1 $0x1  }
0x15: {  	[smem:$0x3FB3] =	sst s0;
	s0 =	simm.s32 @!p2 $0x0  }
0x16: {  	s3 =	sld [smem:$0x3FDB];
	s0 =	simm.s32 @p2 $0x1  }
0x17: {  	s4 =	simm.s32 $0x1BF5;
	[smem:$0x3FB5] =	sst s0  }
0x18: {  	s0 =	sld [smem:$0x3F98];
	_ =	swait.ge [sflag:s4], $0x0  }
0x19: {  	s7 =	sld [smem:$0x3F99]  }
0x1a: {  	s8 =	sadd.s32 $0xFFFFE003, lr  }
0x1b: {  	s9 =	sadd.s32 $0xFFFFFEF7, lr;
	s5 =	simm.s32 $0xFFFFFFFF;
	p2 =	slt.u32 s8, $0xFFFFF086  }
0x1c: {  	p1 =	slt.u32 s9, $0xF7A;
	s5 =	simm.s32 @!p2 $0x0  }
0x1d: {  	s5 =	simm.s32 @p1 $0x1;
	p0 =	seq.s32 s7, s2  }
0x1e: {  	s7 =	smul.u32 @!p0 $0xF7A, s2;
	p2 =	seq.s32 @!p0 s5, $0x0  }
0x1f: {  	s9 =	smul.u32 $0xF7A, s1;
	s8 =	simm.s32 @!p0 $0x1BF5;
	p2 =	por !p2, p0  }
0x20: {  	[sflag:s8] =	ssyncset.s32 @!p0 $0xFFFFF086;
	s6 =	sadd.s32 @!p0 s3, s7;
	s7 =	simm.s32 @!p0 $0x108  }
0x21: {  	s3 =	sadd.s32 s3, s9;
	s6 =	sadd.s32 @!p0 $0x88, s6;
	s7 =	simm.s32 @p2 $0x1082  }
0x22: {  	[simem:s7], [sflag:s8] =	dma.local @!p0 [hbm:s6], $0xF7A  }
0x23: {  	s9 =	sor.u32 $0xD0000000, s2;
	s6 =	simm.s32 $0x108;
	_ =	swait.ge @!p0 [sflag:s8], $0x0  }
0x24: {  	s3 =	sadd.s32 $0x88, s3;
	s6 =	simm.s32 @!p1 $0x1082;
	[sflag:s4] =	ssyncset.s32 $0xFFFFF086  }
0x25: {  	[simem:s6], [sflag:s4] =	dma.local [hbm:s3], $0xF7A  }
0x26: {  	[smem:$0x3F99] =	sst s1;
	(tag) =	ssettag s2;
	_ =	strace s9  }
0x27: {  	s1 =	sld [smem:$0x3FA9]  }
0x28: {  	s2 =	sld [smem:$0x3FAA]  }
0x29: {  	s4 =	sld [smem:$0x3FAC]  }
0x2a: {  	p0 =	seq.s32 s5, $0x0;
	s5 =	sld [smem:$0x3FAD]  }
0x2b: {  	s6 =	sld [smem:$0x3FAE]  }
0x2c: {  	s7 =	sld [smem:$0x3FAF]  }
0x2d: {  	s3 =	simm.s32 $0x108;
	s8 =	sld [smem:$0x3FB0]  }
0x2e: {  	s3 =	simm.s32 @!p0 $0x1082;
	s9 =	sld [smem:$0x3FB1]  }
0x2f: {  	lr =	sadd.s32 s0, s3;
	s0 =	sld [smem:$0x3FA8]  }
0x30: {  	s3 =	sld [smem:$0x3FAB]  }
0x31: {  	[smem:$0x3FB4] =	sst s10  }
0x32: {  	s10 =	sld [smem:$0x3FB2];
	_ =	sdelay $0x3  }
0x33: {  	p0 =	seq.s32 s10, $0x1;
	s10 =	sld [smem:$0x3FB4];
	_ =	sdelay $0x3  }
0x34: {  	[smem:$0x3FB4] =	sst s10  }
0x35: {  	s10 =	sld [smem:$0x3FB3];
	_ =	sdelay $0x3  }
0x36: {  	p1 =	seq.s32 s10, $0x1;
	s10 =	sld [smem:$0x3FB4];
	_ =	sdelay $0x3  }
0x37: {  	[smem:$0x3FB4] =	sst s10  }
0x38: {  	s10 =	sld [smem:$0x3FB5]  }
0x39: {  	_ = 	snop;
	(pc) =	sbr.ind lr, $3  }
0x3a: {  	_ = 	snop  }
0x3b: {  	_ = 	snop  }
0x3c: {  	p2 =	seq.s32 s10, $0x1;
	s10 =	sld [smem:$0x3FB4]  }
0x3d: {  	_ =	shalt  }
0x3e: {  	_ =	shalt  }
0x3f: {  	_ =	shalt  }
0x40: {  	_ =	shalt  }
0x41: {  	_ =	shalt  }
0x42: {  	_ =	shalt  }
0x43: {  	_ =	shalt  }
0x44: {  	_ =	shalt  }
0x45: {  	_ =	shalt  }
0x46: {  	_ =	shalt  }
0x47: {  	_ =	shalt  }
0x48: {  	_ =	shalt  }
0x49: {  	_ =	shalt  }
0x4a: {  	_ =	shalt  }
0x4b: {  	_ =	shalt  }
0x4c: {  	_ =	shalt  }
0x4d: {  	_ =	shalt  }
0x4e: {  	_ =	shalt  }
0x4f: {  	_ =	shalt  }
0x50: {  	_ =	shalt  }
0x51: {  	_ =	shalt  }
0x52: {  	_ =	shalt  }
0x53: {  	_ =	shalt  }
0x54: {  	_ =	shalt  }
0x55: {  	_ =	shalt  }
0x56: {  	_ =	shalt  }
0x57: {  	_ =	shalt  }
0x58: {  	_ =	shalt  }
0x59: {  	_ =	shalt  }
0x5a: {  	_ =	shalt  }
0x5b: {  	_ =	shalt  }
0x5c: {  	_ =	shalt  }
0x5d: {  	_ =	shalt  }
0x5e: {  	_ =	shalt  }
0x5f: {  	_ =	shalt  }
0x60: {  	_ =	shalt  }
0x61: {  	_ =	shalt  }
0x62: {  	_ =	shalt  }
0x63: {  	_ =	shalt  }
0x64: {  	_ =	shalt  }
0x65: {  	_ =	shalt  }
0x66: {  	_ =	shalt  }
0x67: {  	_ =	shalt  }
0x68: {  	_ =	shalt  }
0x69: {  	_ =	shalt  }
0x6a: {  	_ =	shalt  }
0x6b: {  	_ =	shalt  }
0x6c: {  	_ =	shalt  }
0x6d: {  	_ =	shalt  }
0x6e: {  	_ =	shalt  }
0x6f: {  	_ =	shalt  }
0x70: {  	_ =	shalt  }
0x71: {  	_ =	shalt  }
0x72: {  	_ =	shalt  }
0x73: {  	_ =	shalt  }
0x74: {  	_ =	shalt  }
0x75: {  	_ =	shalt  }
0x76: {  	_ =	shalt  }
0x77: {  	_ =	shalt  }
0x78: {  	_ =	shalt  }
0x79: {  	_ =	shalt  }
0x7a: {  	_ =	shalt  }
0x7b: {  	_ =	shalt  }
0x7c: {  	_ =	shalt  }
0x7d: {  	_ =	shalt  }
0x7e: {  	_ =	shalt  }
0x7f: {  	_ =	shalt  }
0x80: {  	_ =	shalt  }
0x81: {  	_ =	shalt  }
0x82: {  	_ =	shalt  }
0x83: {  	_ =	shalt  }
0x84: {  	_ =	shalt  }
0x85: {  	_ =	shalt  }
0x86: {  	_ =	shalt  }
0x87: {  	_ =	shalt  }
.Lfunc_end0:
.L_simem_size_0:
called_computation_lowered:
.L_overlay_start_0:
0x88: {  	s2 =	sld [smem:$0x3FD9]  }
0x89: {  	s3 =	sld [smem:$0x3FFE];
	_ =	sdelay $0x1  }
0x8a: {  	s1 =	srdreg.scid  }
0x8b: {  	s0 =	sand.u32 $0x1, s1  }
0x8c: {  	s14 =	sshll.u32 s0, $0xA;
	s2 =	sadd.s32 s3, s2  }
0x8d: {  	s2 =	sadd.s32 s2, s14  }
0x8e: {  	[smem:$0x3FC0] =	sst s2  }
0x8f: {  	_ = 	snop  }
0x90: {  	s2 =	sld [smem:$0x3FD0];
	_ =	sdelay $0x2  }
0x91: {  	s15 =	simm.s32 $0xA;
	s4 =	simm.s32 $0x10  }
0x92: {  	[smem:s4], [sflag:s15] =	dma.local [hbm:s2], $0x1  }
0x93: {  	_ =	swait.eq [sflag:s15], $0x1  }
0x94: {  	[sflag:s15] =	ssyncset.done $0x0  }
0x95: {  	[sflag:s15] =	ssyncadd.s32 $0xFFFFFFFF  }
0x96: {  	s16 =	sld [smem:$0x10];
	(tm) =	ssettm $0x1  }
0x97: {  	s17 =	sld [smem:$0x3FFB];
	_ =	sdelay $0x3  }
0x98: {  	_ =	strace s17  }
0x99: {  	s3 =	sld [smem:$0x3FFC];
	_ =	sdelay $0x3  }
0x9a: {  	_ =	strace s3  }
0x9b: {  	s3 =	sld [smem:$0x3FFD];
	_ =	sdelay $0x3  }
0x9c: {  	_ =	strace s3  }
0x9d: {  	_ =	strace $0x8FFFFFFF  }
0x9e: {  	s18 =	sld [smem:$0x3FDB];
	_ =	sdelay $0x1  }
0x9f: {  	s19 =	simm.s32 $_scs_section_size  }
0xa0: {  	s5 =	simm.s32 $_size__tile_overlayer_lowered;
	s6 =	simm.s32 $_tile_overlayer_lowered  }
0xa1: {  	s22 =	simm.s32 $0x1BFF;
	s21 =	sshll.u32 s6, $0x1;
	s3 =	sadd.s32 s19, s18  }
0xa2: {  	s7 =	simm.s32 $0x0;
	s20 =	sshll.u32 s5, $0x1;
	s5 =	sadd.s32 s21, s3  }
0xa3: {  	[timem:s7], [sflag:s22] =	dma.local [hbm:s5], s20  }
0xa4: {  	_ =	swait.ge [sflag:s22], s20  }
0xa5: {  	s4 =	ssub.s32 $0x0, s20;
	[sflag:s22] =	ssyncset.done $0x0  }
0xa6: {  	[sflag:s22] =	ssyncadd.s32 s4;
	_ =	sdelay $0x1  }
0xa7: {  	s23 =	simm.s32 $0x1B8B  }
0xa8: {  	_ =	swait.ge [sflag:s23], $0x1  }
0xa9: {  	[sflag:s23] =	ssyncset.done $0x0  }
0xaa: {  	s25 =	simm.s32 $0x1B8E;
	s24 =	sld [smem:$0x3FFE];
	[sflag:s23] =	ssyncadd.s32 $0xFFFFFFFF  }
0xab: {  	s26 =	simm.s32 $execute0_lowered;
	[smem:$0x3FD2] =	sst s25  }
0xac: {  	s5 =	sshll.u32 s26, $0x1;
	_ =	strace $0x80000046;
	[dreg:$0x1] =	wrdreg $0xFFFFFFFF  }
0xad: {  	s28 =	simm.s32 $_size_execute0_lowered;
	s3 =	sadd.s32 s3, s5;
	[dreg:$0x0] =	wrdreg $0x0  }
0xae: {  	s5 =	sshll.u32 s28, $0x1;
	[dreg:$0x2] =	wrdreg s3  }
0xaf: {  	[dreg:$0x3] =	wrdreg s5  }
0xb0: {  	[dreg:$0x4] =	wrdreg $0xC0  }
0xb1: {  	_ =	task [dreg:s7], $0x5FFFF  }
0xb2: {  	[dreg:$0x1] =	wrdreg $0xFFFFFFFF  }
0xb3: {  	[dreg:$0x0] =	wrdreg $0x60  }
0xb4: {  	[dreg:$0x2] =	wrdreg s16  }
0xb5: {  	[dreg:$0x3] =	wrdreg s24  }
0xb6: {  	[dreg:$0x4] =	wrdreg $0x1000  }
0xb7: {  	[dreg:$0x5] =	wrdreg $0x9  }
0xb8: {  	_ =	task.clear_ibuf [dreg:s7], $0x6FFFF;
	_ =	strace $0x90000046  }
0xb9: {  	s29 =	simm.s32 $0x9;
	_ =	strace $0x80000048  }
0xba: {  	_ =	swait.ge [sflag:s29], $0x1  }
0xbb: {  	[sflag:s29] =	ssyncadd.s32 $0xFFFFFFFF  }
0xbc: {  	_ =	strace $0x90000048  }
0xbd: {  	_ =	sfence  }
0xbe: {  	s30 =	sld [smem:$0x0];
	_ =	sdelay $0x2  }
0xbf: {  	s31 =	sshll.u32 s1, $0xD;
	s1 =	sshrl.u32 s1, $0x2  }
0xc0: {  	s3 =	sand.u32 $0x4000, s31;
	s1 =	sadd.s32 s1, s30  }
0xc1: {  	s0 =	sor.u32 s3, s0;
	s1 =	sshll.u32 s1, $0x11  }
0xc2: {  	s0 =	sor.u32 s1, s0  }
0xc3: {  	s0 =	sadd.s32 $0x8F2B, s0  }
0xc4: {  	[sflag:s0] =	ssyncadd.remote.s32 $0x1  }
0xc5: {  	_ =	sfence.sel $0xFFFF  }
0xc6: {  	[dreg:$0x0] =	wrdreg $0xFFFFFFFF;
	(pc) =	sbr.abs _section_cstart, $3  }
0xc7: {  	[dreg:$0x1] =	wrdreg $0xFFFFFFFF  }
0xc8: {  	_ =	task.clear_ibuf [dreg:s7], $0x2FFFF;
	_ =	strace $0x9FFFFFFF  }
0xc9: {  	(tm) =	ssettm $0x7FFFFFFF  }
tec
execute0_lowered:
.L_overlay_start_1:
0x0: {  	(tag) =	ssettag $0x1  }
0x1: {  	s6 =	rddreg [dreg:$0x0]  }
0x2: {  	s4 =	rddreg [dreg:$0x1]  }
0x3: {  	s2 =	rddreg [dreg:$0x2]  }
0x4: {  	s0 =	rddreg [dreg:$0x3]  }
0x5: {  	s3 =	simm.s32 $0x0;
	s1 =	stileid.u32;
	s5 =	srdreg.scid  }
0x6: {  	[smem:$0x7FF] =	sst s3;
	s7 =	smul.u32 $0x280, s1  }
0x7: {  	s8 =	sand.u32 $0x1, s5;
	s30 =	sshll.u32 s1, $0x6;
	s31 =	smul.u32 $0x9E0, s1  }
0x8: {  	s14 =	smul.u32 $0xA0, s1;
	_ =	strace $0x80000047;
	s5 =	ssub.s32 $0x2, s8  }
0x9: {  	s10 =	sshll.u32 s8, $0x4;
	s8 =	smul.u32 $0x4F0, s8;
	s9 =	sshrl.u32 s7, $0x3  }
0xa: {  	s11 =	sshrl.u32 s5, $0x1;
	s10 =	sadd.s32 s10, s4;
	s12 =	sadd.s32 s7, s2  }
0xb: {  	s7 =	sadd.s32 s31, s6;
	s9 =	sadd.s32 s9, s4;
	s11 =	ssub.s32 s5, s11  }
0xc: {  	s5 =	sor.u32 $0x1C01, s30;
	s13 =	sadd.s32 $0x2C00, s10;
	s7 =	sadd.s32 s8, s7  }
0xd: {  	s8 =	sshrl.u32 s12, $0x3;
	s10 =	simm.s32 $0x80;
	s12 =	simm.s32 $0x20  }
0xe: {  	s4 =	sadd.s32 $0x2600, s9;
	s6 =	smax.u32 s11, $0x1;
	s9 =	simm.s32 $0x1  }
0xf: {  	v0 =	vimm.f32 $1.000000000e+00;
	s11 =	sadd.s32 s14, s13;
	s13 =	simm.s32 $0x10;
	s14 =	simm.s32 $0x0  }
.LBB2_1:
0x10: {  	[tilespmem:$0x80] =	vst v0  }
0x11: {  	[tilespmem:$0x90] =	vst v0  }
0x12: {  	[tilespmem:$0xA0] =	vst v0  }
0x13: {  	[tilespmem:$0xB0] =	vst v0  }
0x14: {  	[tilespmem:$0xC0] =	vst v0  }
0x15: {  	[tilespmem:$0xD0] =	vst v0  }
0x16: {  	[tilespmem:$0xE0] =	vst v0  }
0x17: {  	[tilespmem:$0xF0] =	vst v0  }
0x18: {  	[spmem:s8], [sflag:s5] =	dma.local [hbm:s4], $0x50  }
0x19: {  	_ =	swait.ge [sflag:s9], $0x50  }
0x1a: {  	[sflag:s9] =	ssyncset.done $0x0  }
0x1b: {  	[sflag:s9] =	ssyncadd.s32 $0xFFFFFFB0  }
0x1c: {  	s15 =	sadd.s32 $0x0, s7;
	[bflag:$0x0] =	sbarrier.arrive $0xFFFF  }
0x1d: {  	[tilespmem:s3], [sflag:$0x1] =	stream.linear.gather [hbm4b:s15+s3], $0x80, $0x38;
	[tilespmem:$0x380] =	vst v63  }
0x1e: {  	_ =	swait.ge [sflag:s9], $0x80  }
0x1f: {  	[sflag:s9] =	ssyncset.done $0x0  }
0x20: {  	[sflag:s9] =	ssyncadd.s32 $0xFFFFFF80  }
0x21: {  	[spmem:s2] =	stream.indirect.scatter.add.f32 [tilespmem:s10], [sflag:$0x1], $0x1, s3, s10, $0xb8;
	[tilespmem:$0x380] =	vst v63  }
0x22: {  	_ =	swait.ge [sflag:s9], $0x80  }
0x23: {  	s16 =	simm.s32 $0x20;
	s15 =	simm.s32 $0x10;
	[sflag:s9] =	ssyncset.done $0x0  }
.LBB2_2:
0x24: {  	s17 =	sadd.s32 s15, s7  }
0x25: {  	[sflag:s9] =	ssyncadd.s32 $0xFFFFFF80;
	s15 =	smov.u32 s16;
	s18 =	sadd.s32 $0x10, s16  }
0x26: {  	[tilespmem:s3], [sflag:$0x1] =	stream.linear.gather [hbm4b:s17+s3], $0x80, $0x38;
	[tilespmem:$0x380] =	vst v63  }
0x27: {  	p0 =	sne.s32 s16, $0x4E0;
	_ =	swait.ge [sflag:s9], $0x80  }
.Ltmp0:
0x28: {  	[sflag:s9] =	ssyncset.done $0x0;
	(pc) =	sbr.rel @p0 .LBB2_2-.Ltmp0, $4  }
0x29: {  	[sflag:s9] =	ssyncadd.s32 $0xFFFFFF80  }
0x2a: {  	[spmem:s2] =	stream.indirect.scatter.add.f32 [tilespmem:s10], [sflag:$0x1], $0x1, s3, s10, $0xb8;
	[tilespmem:$0x380] =	vst v63  }
0x2b: {  	_ =	swait.ge [sflag:s9], $0x80  }
0x2c: {  	s16 =	smov.u32 s18;
	[sflag:s9] =	ssyncset.done $0x0  }
0x2d: {  	s15 =	sadd.s32 s15, s7;
	[sflag:s9] =	ssyncadd.s32 $0xFFFFFF80  }
0x2e: {  	[tilespmem:s3], [sflag:$0x1] =	stream.linear.gather [hbm4b:s15+s3], $0x80, $0x38;
	[tilespmem:$0x380] =	vst v63  }
0x2f: {  	_ =	swait.ge [sflag:s9], $0x80  }
0x30: {  	[sflag:s9] =	ssyncset.done $0x0  }
0x31: {  	[sflag:s9] =	ssyncadd.s32 $0xFFFFFF80  }
0x32: {  	[spmem:s2] =	stream.indirect.scatter.add.f32 [tilespmem:s10], [sflag:$0x1], $0x1, s3, s10, $0xb8;
	[tilespmem:$0x380] =	vst v63  }
0x33: {  	_ =	swait.ge [sflag:s9], $0x80  }
0x34: {  	s14 =	sadd.s32 $0x1, s14;
	[sflag:s9] =	ssyncset.done $0x0  }
0x35: {  	p0 =	sne.s32 s14, s6;
	[sflag:s9] =	ssyncadd.s32 $0xFFFFFF80  }
.Ltmp1:
0x36: {  	[bflag:$0x0] =	sbarrier.arrive $0xFFFF;
	(pc) =	sbr.rel @p0 .LBB2_1-.Ltmp1, $4  }
0x37: {  	[hbm:s11@s12], [sflag:s5] =	dma.strided [spmem:s8@s13], $0x50, s9, $0x10   }
0x38: {  	_ =	swait.ge [sflag:s9], $0x50  }
0x39: {  	[sflag:s9] =	ssyncset.done $0x0  }
0x3a: {  	[sflag:s9] =	ssyncadd.s32 $0xFFFFFFB0  }
0x3b: {  	_ =	sfence.sel $0x180000  }
0x3c: {  	[bflag:$0x0] =	sbarrier.arrive $0xFFFF  }
0x3d: {  	p0 =	sne.s32 s1, $0x0;
	_ =	strace $0x90000047  }
0x3e: {  	s0 =	sadd.s32 @!p0 $0x100000, s0;
	[bflag:$0x2] =	sbarrier.arrive $0xFFFF  }
0x3f: {  	[sflag:s0] =	ssyncadd.tile.s32 @!p0 $0x1;
	_ =	shalt  }
.Lfunc_end2:
_tile_overlayer_lowered:
.L_overlay_start_2:
0x40: {  	(tag) =	ssettag $0x2  }
0x41: {  	s0 =	rddreg [dreg:$0x0];
	s2 =	stileid.u32  }
0x42: {  	s1 =	rddreg [dreg:$0x1];
	p0 =	sne.s32 s2, $0x0  }
0x43: {  	s3 =	rddreg [dreg:$0x2];
	[bflag:$0x3] =	sbarrier.arrive $0xFFFF;
	s2 =	simm.s32 @!p0 $0x1C01  }
0x44: {  	[timem:s3], [sflag:s2] =	dma.local @!p0 [hbm:s0], s1  }
0x45: {  	s0 =	simm.s32 @!p0 $0x1  }
0x46: {  	_ =	swait.ge @!p0 [sflag:s0], s1  }
0x47: {  	s1 =	ssub.s32 @!p0 $0x0, s1;
	[sflag:s0] =	ssyncset.done @!p0 $0x0  }
0x48: {  	[sflag:s0] =	ssyncadd.s32 @!p0 s1  }
0x49: {  	[bflag:$0x3] =	sbarrier.arrive $0xFFFF  }
0x4a: {  	_ =	shalt  }

</sc_bundles>
